<compile_context>
chip_gen: v7x
topology: tpu7x:2x2x1
jax: 0.10.2.dev20260603
libtpu: 0.0.44.dev20260713+nightly
codegen_flags: <defaults>
</compile_context>

<pallas_src>
import functools

import jax
import jax.numpy as jnp
from jax import lax
from jax.experimental import pallas as pl
from jax.experimental.pallas import tpu as pltpu
from jax.experimental.pallas import tpu_sc as plsc

_D = 32
_B = 4096 * 200
_NW = 32
_ROWS_PER_W = _B // _NW
_CHUNK = 128
_N_CHUNKS = _ROWS_PER_W // _CHUNK

_mesh = plsc.VectorSubcoreMesh(core_axis_name="c", subcore_axis_name="s")


_NBUF = 8


@functools.partial(
    pl.kernel,
    out_type=jax.ShapeDtypeStruct((_B, _D), jnp.float32),
    mesh=_mesh,
    scratch_types=[
        pltpu.VMEM((_N_CHUNKS, _CHUNK), jnp.int32),
        pltpu.VMEM((_NBUF, _CHUNK, _D), jnp.float32),
        pltpu.SemaphoreType.DMA((_NBUF,)),
        pltpu.SemaphoreType.DMA((_NBUF,)),
    ],
    compiler_params=pltpu.CompilerParams(use_tc_tiling_on_sc=False),
)
def _embed(idx_hbm, table_hbm, out_hbm, idx_v, rows_v, gsem, ssem):
    wid = lax.axis_index("s") * 2 + lax.axis_index("c")
    pltpu.sync_copy(idx_hbm.at[pl.ds(wid * _N_CHUNKS, _N_CHUNKS)], idx_v)
    out_base = wid * _ROWS_PER_W

    def gather(j, b):
        pltpu.async_copy(table_hbm.at[idx_v.at[j]], rows_v.at[b], gsem.at[b])

    def wait_gather(j, b):
        pltpu.make_async_copy(table_hbm.at[idx_v.at[j]], rows_v.at[b],
                              gsem.at[b]).wait()

    def out_slice(j):
        return out_hbm.at[pl.ds(out_base + j * _CHUNK, _CHUNK)]

    def wait_store(b):
        pltpu.make_async_copy(rows_v.at[b], out_hbm.at[pl.ds(out_base, _CHUNK)],
                              ssem.at[b]).wait()

    for b in range(_NBUF):
        gather(b, b)

    @pl.loop(0, _N_CHUNKS, step=_NBUF)
    def _(g):
        for b in range(_NBUF):
            j = g + b
            wait_gather(j, b)
            pltpu.async_copy(rows_v.at[b], out_slice(j), ssem.at[b])
            bp = (b - 1) % _NBUF
            jp = j - 1 + _NBUF

            @pl.when(jnp.logical_and(j >= 1, jp < _N_CHUNKS))
            def _():
                wait_store(bp)
                gather(jp, bp)

    for b in range(_NBUF):
        wait_store(b)


def kernel(x, table):
    idx = x.reshape(_NW * _N_CHUNKS, _CHUNK).astype(jnp.int32)
    out = _embed(idx, table)
    return out.reshape(4096, 200, _D)

# --- scband reference (transcript-rebuilt; emitter-appended) ---
"""Pipeline reference for scband-integer-embedding-4750233829726 (READ-ONLY COPY).

The authoritative reference and input builder live on the scoring server;
editing this copy changes nothing except your own understanding.
"""

import jax, jax.numpy as jnp
import numpy as np

MAX_INTEGER = 100000 + 1  # internal table size per module: max_integer + 1
EMBED_DIM = 32

def setup_inputs(seed: int = 0) -> dict:
    key = jax.random.key(seed)
    k_idx, k_tab = jax.random.split(key)
    x = jax.random.randint(k_idx, (4096, 200), 0, 100001, dtype=jnp.int64 if jax.config.jax_enable_x64 else jnp.int32)
    table = jax.random.normal(k_tab, (MAX_INTEGER, EMBED_DIM), dtype=jnp.float32)
    return {"x": x, "table": table}

def reference(x, table):
    # x = x.clip(0, self.max_integer - 1); max_integer (internal) = 100001, so clip to [0, 100000]
    x_clipped = jnp.clip(x, 0, MAX_INTEGER - 1)
    # swap_axes=False, so no swap (note: original torch.swapaxes result is discarded anyway)
    out = jnp.take(table, x_clipped, axis=0)
    return out

if __name__ == "__main__":
    import jax
    _d = setup_inputs()
    print(jax.jit(kernel)(*tuple(_d.values())))

</pallas_src>

<mosaic_0001>
#map = affine_map<(d0, d1) -> (0, 0)>
module attributes {stable_mosaic.version = 14 : i64} {
  func.func @_embed(%arg0: i32, %arg1: i32, %arg2: memref<6400x128xi32, #tpu.memory_space<hbm>>, %arg3: memref<100001x32xf32, #tpu.memory_space<hbm>>, %arg4: memref<819200x32xf32, #tpu.memory_space<hbm>>, %arg5: memref<200x128xi32, #tpu.memory_space<vmem>>, %arg6: memref<8x128x32xf32, #tpu.memory_space<vmem>>, %arg7: memref<8x!tpu.dma_semaphore, #tpu.memory_space<semaphore_mem>>, %arg8: memref<8x!tpu.dma_semaphore, #tpu.memory_space<semaphore_mem>>) attributes {dimension_semantics = [#tpu.dimension_semantics<core_parallel>, #tpu.dimension_semantics<subcore_parallel>], iteration_bounds = array<i64: 2, 16>, scalar_prefetch = 0 : i64, scratch_operands = 4 : i64, tpu.core_type = #tpu.core_type<sc_vector_subcore>, window_params = [{transform_indices = #map}, {transform_indices = #map}, {transform_indices = #map}]} {
    %mul3A = arith.constant 2 : i32
    %mul3A_0 = arith.muli %arg1, %mul3A : i32
    %add3A = arith.addi %mul3A_0, %arg0 : i32
    %mul3A_1 = arith.constant 200 : i32
    %mul3A_2 = arith.muli %add3A, %mul3A_1 : i32
    "tpu.region"() ({
      %run_scoped3A = tpu.sem_alloc : memref<!tpu.dma_semaphore, #tpu.memory_space<semaphore_mem>>
      %dma_start3A_255 = arith.constant 0 : i32
      %dma_start3A_256 = tpu.memref_slice %arg2[%mul3A_2, %dma_start3A_255] : memref<6400x128xi32, #tpu.memory_space<hbm>> -> memref<200x128xi32, #tpu.memory_space<hbm>>
      %dma_start3A_257 = arith.constant 0 : i32
      %dma_start3A_258 = tpu.memref_slice %arg2[%mul3A_2, %dma_start3A_257] : memref<6400x128xi32, #tpu.memory_space<hbm>> -> memref<200x128xi32, #tpu.memory_space<hbm>>
      tpu.enqueue_dma source(%dma_start3A_258 : memref<200x128xi32, #tpu.memory_space<hbm>>) target(%arg5 : memref<200x128xi32, #tpu.memory_space<vmem>>) target_semaphore(%run_scoped3A : memref<!tpu.dma_semaphore, #tpu.memory_space<semaphore_mem>>)
      %dma_wait3A_259 = arith.constant 0 : i32
      %dma_wait3A_260 = tpu.memref_slice %arg2[%mul3A_2, %dma_wait3A_259] : memref<6400x128xi32, #tpu.memory_space<hbm>> -> memref<200x128xi32, #tpu.memory_space<hbm>>
      %dma_wait3A_261 = arith.constant 0 : i32
      %dma_wait3A_262 = tpu.memref_slice %arg2[%mul3A_2, %dma_wait3A_261] : memref<6400x128xi32, #tpu.memory_space<hbm>> -> memref<200x128xi32, #tpu.memory_space<hbm>>
      tpu.wait_dma2 semaphore(%run_scoped3A : memref<!tpu.dma_semaphore, #tpu.memory_space<semaphore_mem>>) src(%dma_wait3A_262 : memref<200x128xi32, #tpu.memory_space<hbm>>) dst(%arg5 : memref<200x128xi32, #tpu.memory_space<vmem>>)
      tpu.yield
    }) : () -> ()
    %mul3A_3 = arith.constant 25600 : i32
    %mul3A_4 = arith.muli %add3A, %mul3A_3 : i32
    %dma_start3A = arith.constant 0 : i32
    %dma_start3A_5 = arith.constant 0 : i32
    %dma_start3A_6 = arith.constant 0 : i32
    %dma_start3A_7 = arith.constant 0 : i32
    %dma_start3A_8 = arith.constant 0 : i32
    %dma_start3A_9 = tpu.memref_slice %arg6[%dma_start3A_5, %dma_start3A_7, %dma_start3A_8] : memref<8x128x32xf32, #tpu.memory_space<vmem>> -> memref<1x128x32xf32, #tpu.memory_space<vmem>>
    %dma_start3A_10 = tpu.memref_squeeze %dma_start3A_9 : memref<1x128x32xf32, #tpu.memory_space<vmem>> -> memref<128x32xf32, #tpu.memory_space<vmem>>
    %dma_start3A_11 = arith.constant 0 : i32
    %dma_start3A_12 = tpu.memref_slice %arg5[%dma_start3A, %dma_start3A_11] : memref<200x128xi32, #tpu.memory_space<vmem>> -> memref<1x128xi32, #tpu.memory_space<vmem>>
    %dma_start3A_13 = tpu.memref_squeeze %dma_start3A_12 : memref<1x128xi32, #tpu.memory_space<vmem>> -> memref<128xi32, #tpu.memory_space<vmem>>
    %dma_start3A_14 = arith.constant 0 : i32
    %dma_start3A_15 = arith.constant 0 : i32
    %dma_start3A_16 = tpu.memref_slice %arg3[%dma_start3A_14, %dma_start3A_15] : memref<100001x32xf32, #tpu.memory_space<hbm>> -> memref<100001x32xf32, #tpu.memory_space<hbm>>
    %dma_start3A_17 = tpu.memref_slice %arg7[%dma_start3A_6] : memref<8x!tpu.dma_semaphore, #tpu.memory_space<semaphore_mem>> -> memref<1x!tpu.dma_semaphore, #tpu.memory_space<semaphore_mem>>
    %dma_start3A_18 = tpu.memref_squeeze %dma_start3A_17 : memref<1x!tpu.dma_semaphore, #tpu.memory_space<semaphore_mem>> -> memref<!tpu.dma_semaphore, #tpu.memory_space<semaphore_mem>>
    tpu.enqueue_indirect_dma source(%dma_start3A_16 : memref<100001x32xf32, #tpu.memory_space<hbm>>) target(%dma_start3A_10 : memref<128x32xf32, #tpu.memory_space<vmem>>) offsets(%dma_start3A_13 : memref<128xi32, #tpu.memory_space<vmem>>) semaphore(%dma_start3A_18 : memref<!tpu.dma_semaphore, #tpu.memory_space<semaphore_mem>>)
    %dma_start3A_19 = arith.constant 1 : i32
    %dma_start3A_20 = arith.constant 1 : i32
    %dma_start3A_21 = arith.constant 1 : i32
    %dma_start3A_22 = arith.constant 0 : i32
    %dma_start3A_23 = arith.constant 0 : i32
    %dma_start3A_24 = tpu.memref_slice %arg6[%dma_start3A_20, %dma_start3A_22, %dma_start3A_23] : memref<8x128x32xf32, #tpu.memory_space<vmem>> -> memref<1x128x32xf32, #tpu.memory_space<vmem>>
    %dma_start3A_25 = tpu.memref_squeeze %dma_start3A_24 : memref<1x128x32xf32, #tpu.memory_space<vmem>> -> memref<128x32xf32, #tpu.memory_space<vmem>>
    %dma_start3A_26 = arith.constant 0 : i32
    %dma_start3A_27 = tpu.memref_slice %arg5[%dma_start3A_19, %dma_start3A_26] : memref<200x128xi32, #tpu.memory_space<vmem>> -> memref<1x128xi32, #tpu.memory_space<vmem>>
    %dma_start3A_28 = tpu.memref_squeeze %dma_start3A_27 : memref<1x128xi32, #tpu.memory_space<vmem>> -> memref<128xi32, #tpu.memory_space<vmem>>
    %dma_start3A_29 = arith.constant 0 : i32
    %dma_start3A_30 = arith.constant 0 : i32
    %dma_start3A_31 = tpu.memref_slice %arg3[%dma_start3A_29, %dma_start3A_30] : memref<100001x32xf32, #tpu.memory_space<hbm>> -> memref<100001x32xf32, #tpu.memory_space<hbm>>
    %dma_start3A_32 = tpu.memref_slice %arg7[%dma_start3A_21] : memref<8x!tpu.dma_semaphore, #tpu.memory_space<semaphore_mem>> -> memref<1x!tpu.dma_semaphore, #tpu.memory_space<semaphore_mem>>
    %dma_start3A_33 = tpu.memref_squeeze %dma_start3A_32 : memref<1x!tpu.dma_semaphore, #tpu.memory_space<semaphore_mem>> -> memref<!tpu.dma_semaphore, #tpu.memory_space<semaphore_mem>>
    tpu.enqueue_indirect_dma source(%dma_start3A_31 : memref<100001x32xf32, #tpu.memory_space<hbm>>) target(%dma_start3A_25 : memref<128x32xf32, #tpu.memory_space<vmem>>) offsets(%dma_start3A_28 : memref<128xi32, #tpu.memory_space<vmem>>) semaphore(%dma_start3A_33 : memref<!tpu.dma_semaphore, #tpu.memory_space<semaphore_mem>>)
    %dma_start3A_34 = arith.constant 2 : i32
    %dma_start3A_35 = arith.constant 2 : i32
    %dma_start3A_36 = arith.constant 2 : i32
    %dma_start3A_37 = arith.constant 0 : i32
    %dma_start3A_38 = arith.constant 0 : i32
    %dma_start3A_39 = tpu.memref_slice %arg6[%dma_start3A_35, %dma_start3A_37, %dma_start3A_38] : memref<8x128x32xf32, #tpu.memory_space<vmem>> -> memref<1x128x32xf32, #tpu.memory_space<vmem>>
    %dma_start3A_40 = tpu.memref_squeeze %dma_start3A_39 : memref<1x128x32xf32, #tpu.memory_space<vmem>> -> memref<128x32xf32, #tpu.memory_space<vmem>>
    %dma_start3A_41 = arith.constant 0 : i32
    %dma_start3A_42 = tpu.memref_slice %arg5[%dma_start3A_34, %dma_start3A_41] : memref<200x128xi32, #tpu.memory_space<vmem>> -> memref<1x128xi32, #tpu.memory_space<vmem>>
    %dma_start3A_43 = tpu.memref_squeeze %dma_start3A_42 : memref<1x128xi32, #tpu.memory_space<vmem>> -> memref<128xi32, #tpu.memory_space<vmem>>
    %dma_start3A_44 = arith.constant 0 : i32
    %dma_start3A_45 = arith.constant 0 : i32
    %dma_start3A_46 = tpu.memref_slice %arg3[%dma_start3A_44, %dma_start3A_45] : memref<100001x32xf32, #tpu.memory_space<hbm>> -> memref<100001x32xf32, #tpu.memory_space<hbm>>
    %dma_start3A_47 = tpu.memref_slice %arg7[%dma_start3A_36] : memref<8x!tpu.dma_semaphore, #tpu.memory_space<semaphore_mem>> -> memref<1x!tpu.dma_semaphore, #tpu.memory_space<semaphore_mem>>
    %dma_start3A_48 = tpu.memref_squeeze %dma_start3A_47 : memref<1x!tpu.dma_semaphore, #tpu.memory_space<semaphore_mem>> -> memref<!tpu.dma_semaphore, #tpu.memory_space<semaphore_mem>>
    tpu.enqueue_indirect_dma source(%dma_start3A_46 : memref<100001x32xf32, #tpu.memory_space<hbm>>) target(%dma_start3A_40 : memref<128x32xf32, #tpu.memory_space<vmem>>) offsets(%dma_start3A_43 : memref<128xi32, #tpu.memory_space<vmem>>) semaphore(%dma_start3A_48 : memref<!tpu.dma_semaphore, #tpu.memory_space<semaphore_mem>>)
    %dma_start3A_49 = arith.constant 3 : i32
    %dma_start3A_50 = arith.constant 3 : i32
    %dma_start3A_51 = arith.constant 3 : i32
    %dma_start3A_52 = arith.constant 0 : i32
    %dma_start3A_53 = arith.constant 0 : i32
    %dma_start3A_54 = tpu.memref_slice %arg6[%dma_start3A_50, %dma_start3A_52, %dma_start3A_53] : memref<8x128x32xf32, #tpu.memory_space<vmem>> -> memref<1x128x32xf32, #tpu.memory_space<vmem>>
    %dma_start3A_55 = tpu.memref_squeeze %dma_start3A_54 : memref<1x128x32xf32, #tpu.memory_space<vmem>> -> memref<128x32xf32, #tpu.memory_space<vmem>>
    %dma_start3A_56 = arith.constant 0 : i32
    %dma_start3A_57 = tpu.memref_slice %arg5[%dma_start3A_49, %dma_start3A_56] : memref<200x128xi32, #tpu.memory_space<vmem>> -> memref<1x128xi32, #tpu.memory_space<vmem>>
    %dma_start3A_58 = tpu.memref_squeeze %dma_start3A_57 : memref<1x128xi32, #tpu.memory_space<vmem>> -> memref<128xi32, #tpu.memory_space<vmem>>
    %dma_start3A_59 = arith.constant 0 : i32
    %dma_start3A_60 = arith.constant 0 : i32
    %dma_start3A_61 = tpu.memref_slice %arg3[%dma_start3A_59, %dma_start3A_60] : memref<100001x32xf32, #tpu.memory_space<hbm>> -> memref<100001x32xf32, #tpu.memory_space<hbm>>
    %dma_start3A_62 = tpu.memref_slice %arg7[%dma_start3A_51] : memref<8x!tpu.dma_semaphore, #tpu.memory_space<semaphore_mem>> -> memref<1x!tpu.dma_semaphore, #tpu.memory_space<semaphore_mem>>
    %dma_start3A_63 = tpu.memref_squeeze %dma_start3A_62 : memref<1x!tpu.dma_semaphore, #tpu.memory_space<semaphore_mem>> -> memref<!tpu.dma_semaphore, #tpu.memory_space<semaphore_mem>>
    tpu.enqueue_indirect_dma source(%dma_start3A_61 : memref<100001x32xf32, #tpu.memory_space<hbm>>) target(%dma_start3A_55 : memref<128x32xf32, #tpu.memory_space<vmem>>) offsets(%dma_start3A_58 : memref<128xi32, #tpu.memory_space<vmem>>) semaphore(%dma_start3A_63 : memref<!tpu.dma_semaphore, #tpu.memory_space<semaphore_mem>>)
    %dma_start3A_64 = arith.constant 4 : i32
    %dma_start3A_65 = arith.constant 4 : i32
    %dma_start3A_66 = arith.constant 4 : i32
    %dma_start3A_67 = arith.constant 0 : i32
    %dma_start3A_68 = arith.constant 0 : i32
    %dma_start3A_69 = tpu.memref_slice %arg6[%dma_start3A_65, %dma_start3A_67, %dma_start3A_68] : memref<8x128x32xf32, #tpu.memory_space<vmem>> -> memref<1x128x32xf32, #tpu.memory_space<vmem>>
    %dma_start3A_70 = tpu.memref_squeeze %dma_start3A_69 : memref<1x128x32xf32, #tpu.memory_space<vmem>> -> memref<128x32xf32, #tpu.memory_space<vmem>>
    %dma_start3A_71 = arith.constant 0 : i32
    %dma_start3A_72 = tpu.memref_slice %arg5[%dma_start3A_64, %dma_start3A_71] : memref<200x128xi32, #tpu.memory_space<vmem>> -> memref<1x128xi32, #tpu.memory_space<vmem>>
    %dma_start3A_73 = tpu.memref_squeeze %dma_start3A_72 : memref<1x128xi32, #tpu.memory_space<vmem>> -> memref<128xi32, #tpu.memory_space<vmem>>
    %dma_start3A_74 = arith.constant 0 : i32
    %dma_start3A_75 = arith.constant 0 : i32
    %dma_start3A_76 = tpu.memref_slice %arg3[%dma_start3A_74, %dma_start3A_75] : memref<100001x32xf32, #tpu.memory_space<hbm>> -> memref<100001x32xf32, #tpu.memory_space<hbm>>
    %dma_start3A_77 = tpu.memref_slice %arg7[%dma_start3A_66] : memref<8x!tpu.dma_semaphore, #tpu.memory_space<semaphore_mem>> -> memref<1x!tpu.dma_semaphore, #tpu.memory_space<semaphore_mem>>
    %dma_start3A_78 = tpu.memref_squeeze %dma_start3A_77 : memref<1x!tpu.dma_semaphore, #tpu.memory_space<semaphore_mem>> -> memref<!tpu.dma_semaphore, #tpu.memory_space<semaphore_mem>>
    tpu.enqueue_indirect_dma source(%dma_start3A_76 : memref<100001x32xf32, #tpu.memory_space<hbm>>) target(%dma_start3A_70 : memref<128x32xf32, #tpu.memory_space<vmem>>) offsets(%dma_start3A_73 : memref<128xi32, #tpu.memory_space<vmem>>) semaphore(%dma_start3A_78 : memref<!tpu.dma_semaphore, #tpu.memory_space<semaphore_mem>>)
    %dma_start3A_79 = arith.constant 5 : i32
    %dma_start3A_80 = arith.constant 5 : i32
    %dma_start3A_81 = arith.constant 5 : i32
    %dma_start3A_82 = arith.constant 0 : i32
    %dma_start3A_83 = arith.constant 0 : i32
    %dma_start3A_84 = tpu.memref_slice %arg6[%dma_start3A_80, %dma_start3A_82, %dma_start3A_83] : memref<8x128x32xf32, #tpu.memory_space<vmem>> -> memref<1x128x32xf32, #tpu.memory_space<vmem>>
    %dma_start3A_85 = tpu.memref_squeeze %dma_start3A_84 : memref<1x128x32xf32, #tpu.memory_space<vmem>> -> memref<128x32xf32, #tpu.memory_space<vmem>>
    %dma_start3A_86 = arith.constant 0 : i32
    %dma_start3A_87 = tpu.memref_slice %arg5[%dma_start3A_79, %dma_start3A_86] : memref<200x128xi32, #tpu.memory_space<vmem>> -> memref<1x128xi32, #tpu.memory_space<vmem>>
    %dma_start3A_88 = tpu.memref_squeeze %dma_start3A_87 : memref<1x128xi32, #tpu.memory_space<vmem>> -> memref<128xi32, #tpu.memory_space<vmem>>
    %dma_start3A_89 = arith.constant 0 : i32
    %dma_start3A_90 = arith.constant 0 : i32
    %dma_start3A_91 = tpu.memref_slice %arg3[%dma_start3A_89, %dma_start3A_90] : memref<100001x32xf32, #tpu.memory_space<hbm>> -> memref<100001x32xf32, #tpu.memory_space<hbm>>
    %dma_start3A_92 = tpu.memref_slice %arg7[%dma_start3A_81] : memref<8x!tpu.dma_semaphore, #tpu.memory_space<semaphore_mem>> -> memref<1x!tpu.dma_semaphore, #tpu.memory_space<semaphore_mem>>
    %dma_start3A_93 = tpu.memref_squeeze %dma_start3A_92 : memref<1x!tpu.dma_semaphore, #tpu.memory_space<semaphore_mem>> -> memref<!tpu.dma_semaphore, #tpu.memory_space<semaphore_mem>>
    tpu.enqueue_indirect_dma source(%dma_start3A_91 : memref<100001x32xf32, #tpu.memory_space<hbm>>) target(%dma_start3A_85 : memref<128x32xf32, #tpu.memory_space<vmem>>) offsets(%dma_start3A_88 : memref<128xi32, #tpu.memory_space<vmem>>) semaphore(%dma_start3A_93 : memref<!tpu.dma_semaphore, #tpu.memory_space<semaphore_mem>>)
    %dma_start3A_94 = arith.constant 6 : i32
    %dma_start3A_95 = arith.constant 6 : i32
    %dma_start3A_96 = arith.constant 6 : i32
    %dma_start3A_97 = arith.constant 0 : i32
    %dma_start3A_98 = arith.constant 0 : i32
    %dma_start3A_99 = tpu.memref_slice %arg6[%dma_start3A_95, %dma_start3A_97, %dma_start3A_98] : memref<8x128x32xf32, #tpu.memory_space<vmem>> -> memref<1x128x32xf32, #tpu.memory_space<vmem>>
    %dma_start3A_100 = tpu.memref_squeeze %dma_start3A_99 : memref<1x128x32xf32, #tpu.memory_space<vmem>> -> memref<128x32xf32, #tpu.memory_space<vmem>>
    %dma_start3A_101 = arith.constant 0 : i32
    %dma_start3A_102 = tpu.memref_slice %arg5[%dma_start3A_94, %dma_start3A_101] : memref<200x128xi32, #tpu.memory_space<vmem>> -> memref<1x128xi32, #tpu.memory_space<vmem>>
    %dma_start3A_103 = tpu.memref_squeeze %dma_start3A_102 : memref<1x128xi32, #tpu.memory_space<vmem>> -> memref<128xi32, #tpu.memory_space<vmem>>
    %dma_start3A_104 = arith.constant 0 : i32
    %dma_start3A_105 = arith.constant 0 : i32
    %dma_start3A_106 = tpu.memref_slice %arg3[%dma_start3A_104, %dma_start3A_105] : memref<100001x32xf32, #tpu.memory_space<hbm>> -> memref<100001x32xf32, #tpu.memory_space<hbm>>
    %dma_start3A_107 = tpu.memref_slice %arg7[%dma_start3A_96] : memref<8x!tpu.dma_semaphore, #tpu.memory_space<semaphore_mem>> -> memref<1x!tpu.dma_semaphore, #tpu.memory_space<semaphore_mem>>
    %dma_start3A_108 = tpu.memref_squeeze %dma_start3A_107 : memref<1x!tpu.dma_semaphore, #tpu.memory_space<semaphore_mem>> -> memref<!tpu.dma_semaphore, #tpu.memory_space<semaphore_mem>>
    tpu.enqueue_indirect_dma source(%dma_start3A_106 : memref<100001x32xf32, #tpu.memory_space<hbm>>) target(%dma_start3A_100 : memref<128x32xf32, #tpu.memory_space<vmem>>) offsets(%dma_start3A_103 : memref<128xi32, #tpu.memory_space<vmem>>) semaphore(%dma_start3A_108 : memref<!tpu.dma_semaphore, #tpu.memory_space<semaphore_mem>>)
    %dma_start3A_109 = arith.constant 7 : i32
    %dma_start3A_110 = arith.constant 7 : i32
    %dma_start3A_111 = arith.constant 7 : i32
    %dma_start3A_112 = arith.constant 0 : i32
    %dma_start3A_113 = arith.constant 0 : i32
    %dma_start3A_114 = tpu.memref_slice %arg6[%dma_start3A_110, %dma_start3A_112, %dma_start3A_113] : memref<8x128x32xf32, #tpu.memory_space<vmem>> -> memref<1x128x32xf32, #tpu.memory_space<vmem>>
    %dma_start3A_115 = tpu.memref_squeeze %dma_start3A_114 : memref<1x128x32xf32, #tpu.memory_space<vmem>> -> memref<128x32xf32, #tpu.memory_space<vmem>>
    %dma_start3A_116 = arith.constant 0 : i32
    %dma_start3A_117 = tpu.memref_slice %arg5[%dma_start3A_109, %dma_start3A_116] : memref<200x128xi32, #tpu.memory_space<vmem>> -> memref<1x128xi32, #tpu.memory_space<vmem>>
    %dma_start3A_118 = tpu.memref_squeeze %dma_start3A_117 : memref<1x128xi32, #tpu.memory_space<vmem>> -> memref<128xi32, #tpu.memory_space<vmem>>
    %dma_start3A_119 = arith.constant 0 : i32
    %dma_start3A_120 = arith.constant 0 : i32
    %dma_start3A_121 = tpu.memref_slice %arg3[%dma_start3A_119, %dma_start3A_120] : memref<100001x32xf32, #tpu.memory_space<hbm>> -> memref<100001x32xf32, #tpu.memory_space<hbm>>
    %dma_start3A_122 = tpu.memref_slice %arg7[%dma_start3A_111] : memref<8x!tpu.dma_semaphore, #tpu.memory_space<semaphore_mem>> -> memref<1x!tpu.dma_semaphore, #tpu.memory_space<semaphore_mem>>
    %dma_start3A_123 = tpu.memref_squeeze %dma_start3A_122 : memref<1x!tpu.dma_semaphore, #tpu.memory_space<semaphore_mem>> -> memref<!tpu.dma_semaphore, #tpu.memory_space<semaphore_mem>>
    tpu.enqueue_indirect_dma source(%dma_start3A_121 : memref<100001x32xf32, #tpu.memory_space<hbm>>) target(%dma_start3A_115 : memref<128x32xf32, #tpu.memory_space<vmem>>) offsets(%dma_start3A_118 : memref<128xi32, #tpu.memory_space<vmem>>) semaphore(%dma_start3A_123 : memref<!tpu.dma_semaphore, #tpu.memory_space<semaphore_mem>>)
    %scan3A = arith.constant 0 : i32
    %scan3A_124 = arith.constant 25 : i32
    %scan3A_125 = arith.addi %scan3A, %scan3A_124 : i32
    %scan3A_126 = arith.constant 1 : i32
    scf.for %scan3A_255 = %scan3A to %scan3A_125 step %scan3A_126  : i32 {
      %mul3A_256 = arith.constant 8 : i32
      %mul3A_257 = arith.muli %scan3A_255, %mul3A_256 : i32
      %add3A_258 = arith.constant 0 : i32
      %add3A_259 = arith.addi %add3A_258, %mul3A_257 : i32
      %add3A_260 = arith.constant 0 : i32
      %add3A_261 = arith.addi %add3A_259, %add3A_260 : i32
      %dma_wait3A_262 = arith.constant 0 : i32
      %dma_wait3A_263 = arith.constant 0 : i32
      %dma_wait3A_264 = arith.constant 0 : i32
      %dma_wait3A_265 = arith.constant 0 : i32
      %dma_wait3A_266 = tpu.memref_slice %arg6[%dma_wait3A_262, %dma_wait3A_264, %dma_wait3A_265] : memref<8x128x32xf32, #tpu.memory_space<vmem>> -> memref<1x128x32xf32, #tpu.memory_space<vmem>>
      %dma_wait3A_267 = tpu.memref_squeeze %dma_wait3A_266 : memref<1x128x32xf32, #tpu.memory_space<vmem>> -> memref<128x32xf32, #tpu.memory_space<vmem>>
      %dma_wait3A_268 = arith.constant 0 : i32
      %dma_wait3A_269 = tpu.memref_slice %arg5[%add3A_261, %dma_wait3A_268] : memref<200x128xi32, #tpu.memory_space<vmem>> -> memref<1x128xi32, #tpu.memory_space<vmem>>
      %dma_wait3A_270 = tpu.memref_squeeze %dma_wait3A_269 : memref<1x128xi32, #tpu.memory_space<vmem>> -> memref<128xi32, #tpu.memory_space<vmem>>
      %dma_wait3A_271 = arith.constant 0 : i32
      %dma_wait3A_272 = arith.constant 0 : i32
      %dma_wait3A_273 = tpu.memref_slice %arg3[%dma_wait3A_271, %dma_wait3A_272] : memref<100001x32xf32, #tpu.memory_space<hbm>> -> memref<100001x32xf32, #tpu.memory_space<hbm>>
      %dma_wait3A_274 = tpu.memref_slice %arg7[%dma_wait3A_263] : memref<8x!tpu.dma_semaphore, #tpu.memory_space<semaphore_mem>> -> memref<1x!tpu.dma_semaphore, #tpu.memory_space<semaphore_mem>>
      %dma_wait3A_275 = tpu.memref_squeeze %dma_wait3A_274 : memref<1x!tpu.dma_semaphore, #tpu.memory_space<semaphore_mem>> -> memref<!tpu.dma_semaphore, #tpu.memory_space<semaphore_mem>>
      tpu.wait_indirect_dma semaphore(%dma_wait3A_275 : memref<!tpu.dma_semaphore, #tpu.memory_space<semaphore_mem>>) src(%dma_wait3A_273 : memref<100001x32xf32, #tpu.memory_space<hbm>>) dst(%dma_wait3A_267 : memref<128x32xf32, #tpu.memory_space<vmem>>)
      %mul3A_276 = arith.constant 128 : i32
      %mul3A_277 = arith.muli %add3A_261, %mul3A_276 : i32
      %add3A_278 = arith.addi %mul3A_4, %mul3A_277 : i32
      %dma_start3A_279 = arith.constant 0 : i32
      %dma_start3A_280 = arith.constant 0 : i32
      %dma_start3A_281 = arith.constant 0 : i32
      %dma_start3A_282 = arith.constant 0 : i32
      %dma_start3A_283 = tpu.memref_slice %arg6[%dma_start3A_279, %dma_start3A_281, %dma_start3A_282] : memref<8x128x32xf32, #tpu.memory_space<vmem>> -> memref<1x128x32xf32, #tpu.memory_space<vmem>>
      %dma_start3A_284 = tpu.memref_squeeze %dma_start3A_283 : memref<1x128x32xf32, #tpu.memory_space<vmem>> -> memref<128x32xf32, #tpu.memory_space<vmem>>
      %dma_start3A_285 = arith.constant 0 : i32
      %dma_start3A_286 = tpu.memref_slice %arg4[%add3A_278, %dma_start3A_285] : memref<819200x32xf32, #tpu.memory_space<hbm>> -> memref<128x32xf32, #tpu.memory_space<hbm>>
      %dma_start3A_287 = tpu.memref_slice %arg8[%dma_start3A_280] : memref<8x!tpu.dma_semaphore, #tpu.memory_space<semaphore_mem>> -> memref<1x!tpu.dma_semaphore, #tpu.memory_space<semaphore_mem>>
      %dma_start3A_288 = tpu.memref_squeeze %dma_start3A_287 : memref<1x!tpu.dma_semaphore, #tpu.memory_space<semaphore_mem>> -> memref<!tpu.dma_semaphore, #tpu.memory_space<semaphore_mem>>
      %dma_start3A_289 = arith.constant 0 : i32
      %dma_start3A_290 = tpu.memref_slice %arg4[%add3A_278, %dma_start3A_289] : memref<819200x32xf32, #tpu.memory_space<hbm>> -> memref<128x32xf32, #tpu.memory_space<hbm>>
      %dma_start3A_291 = arith.constant 0 : i32
      %dma_start3A_292 = arith.constant 0 : i32
      %dma_start3A_293 = tpu.memref_slice %arg6[%dma_start3A_279, %dma_start3A_291, %dma_start3A_292] : memref<8x128x32xf32, #tpu.memory_space<vmem>> -> memref<1x128x32xf32, #tpu.memory_space<vmem>>
      %dma_start3A_294 = tpu.memref_squeeze %dma_start3A_293 : memref<1x128x32xf32, #tpu.memory_space<vmem>> -> memref<128x32xf32, #tpu.memory_space<vmem>>
      tpu.enqueue_dma source(%dma_start3A_294 : memref<128x32xf32, #tpu.memory_space<vmem>>) target(%dma_start3A_290 : memref<128x32xf32, #tpu.memory_space<hbm>>) target_semaphore(%dma_start3A_288 : memref<!tpu.dma_semaphore, #tpu.memory_space<semaphore_mem>>)
      %sub3A = arith.constant 1 : i32
      %sub3A_295 = arith.subi %add3A_261, %sub3A : i32
      %add3A_296 = arith.constant 8 : i32
      %add3A_297 = arith.addi %sub3A_295, %add3A_296 : i32
      %ge3A = arith.constant 1 : i32
      %ge3A_298 = arith.cmpi sge, %add3A_261, %ge3A : i32
      %lt3A = arith.constant 200 : i32
      %lt3A_299 = arith.cmpi slt, %add3A_297, %lt3A : i32
      %and3A = arith.andi %ge3A_298, %lt3A_299 : i1
      %convert_element_type3A = arith.extui %and3A : i1 to i32
      %cond3A = arith.constant 0 : i32
      %cond3A_300 = arith.cmpi ne, %convert_element_type3A, %cond3A : i32
      scf.if %cond3A_300 {
        %dma_wait3A_630 = arith.constant 7 : i32
        %dma_wait3A_631 = arith.constant 7 : i32
        %dma_wait3A_632 = arith.constant 0 : i32
        %dma_wait3A_633 = arith.constant 0 : i32
        %dma_wait3A_634 = tpu.memref_slice %arg6[%dma_wait3A_630, %dma_wait3A_632, %dma_wait3A_633] : memref<8x128x32xf32, #tpu.memory_space<vmem>> -> memref<1x128x32xf32, #tpu.memory_space<vmem>>
        %dma_wait3A_635 = tpu.memref_squeeze %dma_wait3A_634 : memref<1x128x32xf32, #tpu.memory_space<vmem>> -> memref<128x32xf32, #tpu.memory_space<vmem>>
        %dma_wait3A_636 = arith.constant 0 : i32
        %dma_wait3A_637 = tpu.memref_slice %arg4[%mul3A_4, %dma_wait3A_636] : memref<819200x32xf32, #tpu.memory_space<hbm>> -> memref<128x32xf32, #tpu.memory_space<hbm>>
        %dma_wait3A_638 = tpu.memref_slice %arg8[%dma_wait3A_631] : memref<8x!tpu.dma_semaphore, #tpu.memory_space<semaphore_mem>> -> memref<1x!tpu.dma_semaphore, #tpu.memory_space<semaphore_mem>>
        %dma_wait3A_639 = tpu.memref_squeeze %dma_wait3A_638 : memref<1x!tpu.dma_semaphore, #tpu.memory_space<semaphore_mem>> -> memref<!tpu.dma_semaphore, #tpu.memory_space<semaphore_mem>>
        %dma_wait3A_640 = arith.constant 0 : i32
        %dma_wait3A_641 = tpu.memref_slice %arg4[%mul3A_4, %dma_wait3A_640] : memref<819200x32xf32, #tpu.memory_space<hbm>> -> memref<128x32xf32, #tpu.memory_space<hbm>>
        %dma_wait3A_642 = arith.constant 0 : i32
        %dma_wait3A_643 = arith.constant 0 : i32
        %dma_wait3A_644 = tpu.memref_slice %arg6[%dma_wait3A_630, %dma_wait3A_642, %dma_wait3A_643] : memref<8x128x32xf32, #tpu.memory_space<vmem>> -> memref<1x128x32xf32, #tpu.memory_space<vmem>>
        %dma_wait3A_645 = tpu.memref_squeeze %dma_wait3A_644 : memref<1x128x32xf32, #tpu.memory_space<vmem>> -> memref<128x32xf32, #tpu.memory_space<vmem>>
        tpu.wait_dma2 semaphore(%dma_wait3A_639 : memref<!tpu.dma_semaphore, #tpu.memory_space<semaphore_mem>>) src(%dma_wait3A_645 : memref<128x32xf32, #tpu.memory_space<vmem>>) dst(%dma_wait3A_641 : memref<128x32xf32, #tpu.memory_space<hbm>>)
        %dma_start3A_646 = arith.constant 7 : i32
        %dma_start3A_647 = arith.constant 7 : i32
        %dma_start3A_648 = arith.constant 0 : i32
        %dma_start3A_649 = arith.constant 0 : i32
        %dma_start3A_650 = tpu.memref_slice %arg6[%dma_start3A_646, %dma_start3A_648, %dma_start3A_649] : memref<8x128x32xf32, #tpu.memory_space<vmem>> -> memref<1x128x32xf32, #tpu.memory_space<vmem>>
        %dma_start3A_651 = tpu.memref_squeeze %dma_start3A_650 : memref<1x128x32xf32, #tpu.memory_space<vmem>> -> memref<128x32xf32, #tpu.memory_space<vmem>>
        %dma_start3A_652 = arith.constant 0 : i32
        %dma_start3A_653 = tpu.memref_slice %arg5[%add3A_297, %dma_start3A_652] : memref<200x128xi32, #tpu.memory_space<vmem>> -> memref<1x128xi32, #tpu.memory_space<vmem>>
        %dma_start3A_654 = tpu.memref_squeeze %dma_start3A_653 : memref<1x128xi32, #tpu.memory_space<vmem>> -> memref<128xi32, #tpu.memory_space<vmem>>
        %dma_start3A_655 = arith.constant 0 : i32
        %dma_start3A_656 = arith.constant 0 : i32
        %dma_start3A_657 = tpu.memref_slice %arg3[%dma_start3A_655, %dma_start3A_656] : memref<100001x32xf32, #tpu.memory_space<hbm>> -> memref<100001x32xf32, #tpu.memory_space<hbm>>
        %dma_start3A_658 = tpu.memref_slice %arg7[%dma_start3A_647] : memref<8x!tpu.dma_semaphore, #tpu.memory_space<semaphore_mem>> -> memref<1x!tpu.dma_semaphore, #tpu.memory_space<semaphore_mem>>
        %dma_start3A_659 = tpu.memref_squeeze %dma_start3A_658 : memref<1x!tpu.dma_semaphore, #tpu.memory_space<semaphore_mem>> -> memref<!tpu.dma_semaphore, #tpu.memory_space<semaphore_mem>>
        tpu.enqueue_indirect_dma source(%dma_start3A_657 : memref<100001x32xf32, #tpu.memory_space<hbm>>) target(%dma_start3A_651 : memref<128x32xf32, #tpu.memory_space<vmem>>) offsets(%dma_start3A_654 : memref<128xi32, #tpu.memory_space<vmem>>) semaphore(%dma_start3A_659 : memref<!tpu.dma_semaphore, #tpu.memory_space<semaphore_mem>>)
      } else {
      }
      %add3A_301 = arith.constant 1 : i32
      %add3A_302 = arith.addi %add3A_259, %add3A_301 : i32
      %dma_wait3A_303 = arith.constant 1 : i32
      %dma_wait3A_304 = arith.constant 1 : i32
      %dma_wait3A_305 = arith.constant 0 : i32
      %dma_wait3A_306 = arith.constant 0 : i32
      %dma_wait3A_307 = tpu.memref_slice %arg6[%dma_wait3A_303, %dma_wait3A_305, %dma_wait3A_306] : memref<8x128x32xf32, #tpu.memory_space<vmem>> -> memref<1x128x32xf32, #tpu.memory_space<vmem>>
      %dma_wait3A_308 = tpu.memref_squeeze %dma_wait3A_307 : memref<1x128x32xf32, #tpu.memory_space<vmem>> -> memref<128x32xf32, #tpu.memory_space<vmem>>
      %dma_wait3A_309 = arith.constant 0 : i32
      %dma_wait3A_310 = tpu.memref_slice %arg5[%add3A_302, %dma_wait3A_309] : memref<200x128xi32, #tpu.memory_space<vmem>> -> memref<1x128xi32, #tpu.memory_space<vmem>>
      %dma_wait3A_311 = tpu.memref_squeeze %dma_wait3A_310 : memref<1x128xi32, #tpu.memory_space<vmem>> -> memref<128xi32, #tpu.memory_space<vmem>>
      %dma_wait3A_312 = arith.constant 0 : i32
      %dma_wait3A_313 = arith.constant 0 : i32
      %dma_wait3A_314 = tpu.memref_slice %arg3[%dma_wait3A_312, %dma_wait3A_313] : memref<100001x32xf32, #tpu.memory_space<hbm>> -> memref<100001x32xf32, #tpu.memory_space<hbm>>
      %dma_wait3A_315 = tpu.memref_slice %arg7[%dma_wait3A_304] : memref<8x!tpu.dma_semaphore, #tpu.memory_space<semaphore_mem>> -> memref<1x!tpu.dma_semaphore, #tpu.memory_space<semaphore_mem>>
      %dma_wait3A_316 = tpu.memref_squeeze %dma_wait3A_315 : memref<1x!tpu.dma_semaphore, #tpu.memory_space<semaphore_mem>> -> memref<!tpu.dma_semaphore, #tpu.memory_space<semaphore_mem>>
      tpu.wait_indirect_dma semaphore(%dma_wait3A_316 : memref<!tpu.dma_semaphore, #tpu.memory_space<semaphore_mem>>) src(%dma_wait3A_314 : memref<100001x32xf32, #tpu.memory_space<hbm>>) dst(%dma_wait3A_308 : memref<128x32xf32, #tpu.memory_space<vmem>>)
      %mul3A_317 = arith.constant 128 : i32
      %mul3A_318 = arith.muli %add3A_302, %mul3A_317 : i32
      %add3A_319 = arith.addi %mul3A_4, %mul3A_318 : i32
      %dma_start3A_320 = arith.constant 1 : i32
      %dma_start3A_321 = arith.constant 1 : i32
      %dma_start3A_322 = arith.constant 0 : i32
      %dma_start3A_323 = arith.constant 0 : i32
      %dma_start3A_324 = tpu.memref_slice %arg6[%dma_start3A_320, %dma_start3A_322, %dma_start3A_323] : memref<8x128x32xf32, #tpu.memory_space<vmem>> -> memref<1x128x32xf32, #tpu.memory_space<vmem>>
      %dma_start3A_325 = tpu.memref_squeeze %dma_start3A_324 : memref<1x128x32xf32, #tpu.memory_space<vmem>> -> memref<128x32xf32, #tpu.memory_space<vmem>>
      %dma_start3A_326 = arith.constant 0 : i32
      %dma_start3A_327 = tpu.memref_slice %arg4[%add3A_319, %dma_start3A_326] : memref<819200x32xf32, #tpu.memory_space<hbm>> -> memref<128x32xf32, #tpu.memory_space<hbm>>
      %dma_start3A_328 = tpu.memref_slice %arg8[%dma_start3A_321] : memref<8x!tpu.dma_semaphore, #tpu.memory_space<semaphore_mem>> -> memref<1x!tpu.dma_semaphore, #tpu.memory_space<semaphore_mem>>
      %dma_start3A_329 = tpu.memref_squeeze %dma_start3A_328 : memref<1x!tpu.dma_semaphore, #tpu.memory_space<semaphore_mem>> -> memref<!tpu.dma_semaphore, #tpu.memory_space<semaphore_mem>>
      %dma_start3A_330 = arith.constant 0 : i32
      %dma_start3A_331 = tpu.memref_slice %arg4[%add3A_319, %dma_start3A_330] : memref<819200x32xf32, #tpu.memory_space<hbm>> -> memref<128x32xf32, #tpu.memory_space<hbm>>
      %dma_start3A_332 = arith.constant 0 : i32
      %dma_start3A_333 = arith.constant 0 : i32
      %dma_start3A_334 = tpu.memref_slice %arg6[%dma_start3A_320, %dma_start3A_332, %dma_start3A_333] : memref<8x128x32xf32, #tpu.memory_space<vmem>> -> memref<1x128x32xf32, #tpu.memory_space<vmem>>
      %dma_start3A_335 = tpu.memref_squeeze %dma_start3A_334 : memref<1x128x32xf32, #tpu.memory_space<vmem>> -> memref<128x32xf32, #tpu.memory_space<vmem>>
      tpu.enqueue_dma source(%dma_start3A_335 : memref<128x32xf32, #tpu.memory_space<vmem>>) target(%dma_start3A_331 : memref<128x32xf32, #tpu.memory_space<hbm>>) target_semaphore(%dma_start3A_329 : memref<!tpu.dma_semaphore, #tpu.memory_space<semaphore_mem>>)
      %sub3A_336 = arith.constant 1 : i32
      %sub3A_337 = arith.subi %add3A_302, %sub3A_336 : i32
      %add3A_338 = arith.constant 8 : i32
      %add3A_339 = arith.addi %sub3A_337, %add3A_338 : i32
      %ge3A_340 = arith.constant 1 : i32
      %ge3A_341 = arith.cmpi sge, %add3A_302, %ge3A_340 : i32
      %lt3A_342 = arith.constant 200 : i32
      %lt3A_343 = arith.cmpi slt, %add3A_339, %lt3A_342 : i32
      %and3A_344 = arith.andi %ge3A_341, %lt3A_343 : i1
      %convert_element_type3A_345 = arith.extui %and3A_344 : i1 to i32
      %cond3A_346 = arith.constant 0 : i32
      %cond3A_347 = arith.cmpi ne, %convert_element_type3A_345, %cond3A_346 : i32
      scf.if %cond3A_347 {
        %dma_wait3A_630 = arith.constant 0 : i32
        %dma_wait3A_631 = arith.constant 0 : i32
        %dma_wait3A_632 = arith.constant 0 : i32
        %dma_wait3A_633 = arith.constant 0 : i32
        %dma_wait3A_634 = tpu.memref_slice %arg6[%dma_wait3A_630, %dma_wait3A_632, %dma_wait3A_633] : memref<8x128x32xf32, #tpu.memory_space<vmem>> -> memref<1x128x32xf32, #tpu.memory_space<vmem>>
        %dma_wait3A_635 = tpu.memref_squeeze %dma_wait3A_634 : memref<1x128x32xf32, #tpu.memory_space<vmem>> -> memref<128x32xf32, #tpu.memory_space<vmem>>
        %dma_wait3A_636 = arith.constant 0 : i32
        %dma_wait3A_637 = tpu.memref_slice %arg4[%mul3A_4, %dma_wait3A_636] : memref<819200x32xf32, #tpu.memory_space<hbm>> -> memref<128x32xf32, #tpu.memory_space<hbm>>
        %dma_wait3A_638 = tpu.memref_slice %arg8[%dma_wait3A_631] : memref<8x!tpu.dma_semaphore, #tpu.memory_space<semaphore_mem>> -> memref<1x!tpu.dma_semaphore, #tpu.memory_space<semaphore_mem>>
        %dma_wait3A_639 = tpu.memref_squeeze %dma_wait3A_638 : memref<1x!tpu.dma_semaphore, #tpu.memory_space<semaphore_mem>> -> memref<!tpu.dma_semaphore, #tpu.memory_space<semaphore_mem>>
        %dma_wait3A_640 = arith.constant 0 : i32
        %dma_wait3A_641 = tpu.memref_slice %arg4[%mul3A_4, %dma_wait3A_640] : memref<819200x32xf32, #tpu.memory_space<hbm>> -> memref<128x32xf32, #tpu.memory_space<hbm>>
        %dma_wait3A_642 = arith.constant 0 : i32
        %dma_wait3A_643 = arith.constant 0 : i32
        %dma_wait3A_644 = tpu.memref_slice %arg6[%dma_wait3A_630, %dma_wait3A_642, %dma_wait3A_643] : memref<8x128x32xf32, #tpu.memory_space<vmem>> -> memref<1x128x32xf32, #tpu.memory_space<vmem>>
        %dma_wait3A_645 = tpu.memref_squeeze %dma_wait3A_644 : memref<1x128x32xf32, #tpu.memory_space<vmem>> -> memref<128x32xf32, #tpu.memory_space<vmem>>
        tpu.wait_dma2 semaphore(%dma_wait3A_639 : memref<!tpu.dma_semaphore, #tpu.memory_space<semaphore_mem>>) src(%dma_wait3A_645 : memref<128x32xf32, #tpu.memory_space<vmem>>) dst(%dma_wait3A_641 : memref<128x32xf32, #tpu.memory_space<hbm>>)
        %dma_start3A_646 = arith.constant 0 : i32
        %dma_start3A_647 = arith.constant 0 : i32
        %dma_start3A_648 = arith.constant 0 : i32
        %dma_start3A_649 = arith.constant 0 : i32
        %dma_start3A_650 = tpu.memref_slice %arg6[%dma_start3A_646, %dma_start3A_648, %dma_start3A_649] : memref<8x128x32xf32, #tpu.memory_space<vmem>> -> memref<1x128x32xf32, #tpu.memory_space<vmem>>
        %dma_start3A_651 = tpu.memref_squeeze %dma_start3A_650 : memref<1x128x32xf32, #tpu.memory_space<vmem>> -> memref<128x32xf32, #tpu.memory_space<vmem>>
        %dma_start3A_652 = arith.constant 0 : i32
        %dma_start3A_653 = tpu.memref_slice %arg5[%add3A_339, %dma_start3A_652] : memref<200x128xi32, #tpu.memory_space<vmem>> -> memref<1x128xi32, #tpu.memory_space<vmem>>
        %dma_start3A_654 = tpu.memref_squeeze %dma_start3A_653 : memref<1x128xi32, #tpu.memory_space<vmem>> -> memref<128xi32, #tpu.memory_space<vmem>>
        %dma_start3A_655 = arith.constant 0 : i32
        %dma_start3A_656 = arith.constant 0 : i32
        %dma_start3A_657 = tpu.memref_slice %arg3[%dma_start3A_655, %dma_start3A_656] : memref<100001x32xf32, #tpu.memory_space<hbm>> -> memref<100001x32xf32, #tpu.memory_space<hbm>>
        %dma_start3A_658 = tpu.memref_slice %arg7[%dma_start3A_647] : memref<8x!tpu.dma_semaphore, #tpu.memory_space<semaphore_mem>> -> memref<1x!tpu.dma_semaphore, #tpu.memory_space<semaphore_mem>>
        %dma_start3A_659 = tpu.memref_squeeze %dma_start3A_658 : memref<1x!tpu.dma_semaphore, #tpu.memory_space<semaphore_mem>> -> memref<!tpu.dma_semaphore, #tpu.memory_space<semaphore_mem>>
        tpu.enqueue_indirect_dma source(%dma_start3A_657 : memref<100001x32xf32, #tpu.memory_space<hbm>>) target(%dma_start3A_651 : memref<128x32xf32, #tpu.memory_space<vmem>>) offsets(%dma_start3A_654 : memref<128xi32, #tpu.memory_space<vmem>>) semaphore(%dma_start3A_659 : memref<!tpu.dma_semaphore, #tpu.memory_space<semaphore_mem>>)
      } else {
      }
      %add3A_348 = arith.constant 2 : i32
      %add3A_349 = arith.addi %add3A_259, %add3A_348 : i32
      %dma_wait3A_350 = arith.constant 2 : i32
      %dma_wait3A_351 = arith.constant 2 : i32
      %dma_wait3A_352 = arith.constant 0 : i32
      %dma_wait3A_353 = arith.constant 0 : i32
      %dma_wait3A_354 = tpu.memref_slice %arg6[%dma_wait3A_350, %dma_wait3A_352, %dma_wait3A_353] : memref<8x128x32xf32, #tpu.memory_space<vmem>> -> memref<1x128x32xf32, #tpu.memory_space<vmem>>
      %dma_wait3A_355 = tpu.memref_squeeze %dma_wait3A_354 : memref<1x128x32xf32, #tpu.memory_space<vmem>> -> memref<128x32xf32, #tpu.memory_space<vmem>>
      %dma_wait3A_356 = arith.constant 0 : i32
      %dma_wait3A_357 = tpu.memref_slice %arg5[%add3A_349, %dma_wait3A_356] : memref<200x128xi32, #tpu.memory_space<vmem>> -> memref<1x128xi32, #tpu.memory_space<vmem>>
      %dma_wait3A_358 = tpu.memref_squeeze %dma_wait3A_357 : memref<1x128xi32, #tpu.memory_space<vmem>> -> memref<128xi32, #tpu.memory_space<vmem>>
      %dma_wait3A_359 = arith.constant 0 : i32
      %dma_wait3A_360 = arith.constant 0 : i32
      %dma_wait3A_361 = tpu.memref_slice %arg3[%dma_wait3A_359, %dma_wait3A_360] : memref<100001x32xf32, #tpu.memory_space<hbm>> -> memref<100001x32xf32, #tpu.memory_space<hbm>>
      %dma_wait3A_362 = tpu.memref_slice %arg7[%dma_wait3A_351] : memref<8x!tpu.dma_semaphore, #tpu.memory_space<semaphore_mem>> -> memref<1x!tpu.dma_semaphore, #tpu.memory_space<semaphore_mem>>
      %dma_wait3A_363 = tpu.memref_squeeze %dma_wait3A_362 : memref<1x!tpu.dma_semaphore, #tpu.memory_space<semaphore_mem>> -> memref<!tpu.dma_semaphore, #tpu.memory_space<semaphore_mem>>
      tpu.wait_indirect_dma semaphore(%dma_wait3A_363 : memref<!tpu.dma_semaphore, #tpu.memory_space<semaphore_mem>>) src(%dma_wait3A_361 : memref<100001x32xf32, #tpu.memory_space<hbm>>) dst(%dma_wait3A_355 : memref<128x32xf32, #tpu.memory_space<vmem>>)
      %mul3A_364 = arith.constant 128 : i32
      %mul3A_365 = arith.muli %add3A_349, %mul3A_364 : i32
      %add3A_366 = arith.addi %mul3A_4, %mul3A_365 : i32
      %dma_start3A_367 = arith.constant 2 : i32
      %dma_start3A_368 = arith.constant 2 : i32
      %dma_start3A_369 = arith.constant 0 : i32
      %dma_start3A_370 = arith.constant 0 : i32
      %dma_start3A_371 = tpu.memref_slice %arg6[%dma_start3A_367, %dma_start3A_369, %dma_start3A_370] : memref<8x128x32xf32, #tpu.memory_space<vmem>> -> memref<1x128x32xf32, #tpu.memory_space<vmem>>
      %dma_start3A_372 = tpu.memref_squeeze %dma_start3A_371 : memref<1x128x32xf32, #tpu.memory_space<vmem>> -> memref<128x32xf32, #tpu.memory_space<vmem>>
      %dma_start3A_373 = arith.constant 0 : i32
      %dma_start3A_374 = tpu.memref_slice %arg4[%add3A_366, %dma_start3A_373] : memref<819200x32xf32, #tpu.memory_space<hbm>> -> memref<128x32xf32, #tpu.memory_space<hbm>>
      %dma_start3A_375 = tpu.memref_slice %arg8[%dma_start3A_368] : memref<8x!tpu.dma_semaphore, #tpu.memory_space<semaphore_mem>> -> memref<1x!tpu.dma_semaphore, #tpu.memory_space<semaphore_mem>>
      %dma_start3A_376 = tpu.memref_squeeze %dma_start3A_375 : memref<1x!tpu.dma_semaphore, #tpu.memory_space<semaphore_mem>> -> memref<!tpu.dma_semaphore, #tpu.memory_space<semaphore_mem>>
      %dma_start3A_377 = arith.constant 0 : i32
      %dma_start3A_378 = tpu.memref_slice %arg4[%add3A_366, %dma_start3A_377] : memref<819200x32xf32, #tpu.memory_space<hbm>> -> memref<128x32xf32, #tpu.memory_space<hbm>>
      %dma_start3A_379 = arith.constant 0 : i32
      %dma_start3A_380 = arith.constant 0 : i32
      %dma_start3A_381 = tpu.memref_slice %arg6[%dma_start3A_367, %dma_start3A_379, %dma_start3A_380] : memref<8x128x32xf32, #tpu.memory_space<vmem>> -> memref<1x128x32xf32, #tpu.memory_space<vmem>>
      %dma_start3A_382 = tpu.memref_squeeze %dma_start3A_381 : memref<1x128x32xf32, #tpu.memory_space<vmem>> -> memref<128x32xf32, #tpu.memory_space<vmem>>
      tpu.enqueue_dma source(%dma_start3A_382 : memref<128x32xf32, #tpu.memory_space<vmem>>) target(%dma_start3A_378 : memref<128x32xf32, #tpu.memory_space<hbm>>) target_semaphore(%dma_start3A_376 : memref<!tpu.dma_semaphore, #tpu.memory_space<semaphore_mem>>)
      %sub3A_383 = arith.constant 1 : i32
      %sub3A_384 = arith.subi %add3A_349, %sub3A_383 : i32
      %add3A_385 = arith.constant 8 : i32
      %add3A_386 = arith.addi %sub3A_384, %add3A_385 : i32
      %ge3A_387 = arith.constant 1 : i32
      %ge3A_388 = arith.cmpi sge, %add3A_349, %ge3A_387 : i32
      %lt3A_389 = arith.constant 200 : i32
      %lt3A_390 = arith.cmpi slt, %add3A_386, %lt3A_389 : i32
      %and3A_391 = arith.andi %ge3A_388, %lt3A_390 : i1
      %convert_element_type3A_392 = arith.extui %and3A_391 : i1 to i32
      %cond3A_393 = arith.constant 0 : i32
      %cond3A_394 = arith.cmpi ne, %convert_element_type3A_392, %cond3A_393 : i32
      scf.if %cond3A_394 {
        %dma_wait3A_630 = arith.constant 1 : i32
        %dma_wait3A_631 = arith.constant 1 : i32
        %dma_wait3A_632 = arith.constant 0 : i32
        %dma_wait3A_633 = arith.constant 0 : i32
        %dma_wait3A_634 = tpu.memref_slice %arg6[%dma_wait3A_630, %dma_wait3A_632, %dma_wait3A_633] : memref<8x128x32xf32, #tpu.memory_space<vmem>> -> memref<1x128x32xf32, #tpu.memory_space<vmem>>
        %dma_wait3A_635 = tpu.memref_squeeze %dma_wait3A_634 : memref<1x128x32xf32, #tpu.memory_space<vmem>> -> memref<128x32xf32, #tpu.memory_space<vmem>>
        %dma_wait3A_636 = arith.constant 0 : i32
        %dma_wait3A_637 = tpu.memref_slice %arg4[%mul3A_4, %dma_wait3A_636] : memref<819200x32xf32, #tpu.memory_space<hbm>> -> memref<128x32xf32, #tpu.memory_space<hbm>>
        %dma_wait3A_638 = tpu.memref_slice %arg8[%dma_wait3A_631] : memref<8x!tpu.dma_semaphore, #tpu.memory_space<semaphore_mem>> -> memref<1x!tpu.dma_semaphore, #tpu.memory_space<semaphore_mem>>
        %dma_wait3A_639 = tpu.memref_squeeze %dma_wait3A_638 : memref<1x!tpu.dma_semaphore, #tpu.memory_space<semaphore_mem>> -> memref<!tpu.dma_semaphore, #tpu.memory_space<semaphore_mem>>
        %dma_wait3A_640 = arith.constant 0 : i32
        %dma_wait3A_641 = tpu.memref_slice %arg4[%mul3A_4, %dma_wait3A_640] : memref<819200x32xf32, #tpu.memory_space<hbm>> -> memref<128x32xf32, #tpu.memory_space<hbm>>
        %dma_wait3A_642 = arith.constant 0 : i32
        %dma_wait3A_643 = arith.constant 0 : i32
        %dma_wait3A_644 = tpu.memref_slice %arg6[%dma_wait3A_630, %dma_wait3A_642, %dma_wait3A_643] : memref<8x128x32xf32, #tpu.memory_space<vmem>> -> memref<1x128x32xf32, #tpu.memory_space<vmem>>
        %dma_wait3A_645 = tpu.memref_squeeze %dma_wait3A_644 : memref<1x128x32xf32, #tpu.memory_space<vmem>> -> memref<128x32xf32, #tpu.memory_space<vmem>>
        tpu.wait_dma2 semaphore(%dma_wait3A_639 : memref<!tpu.dma_semaphore, #tpu.memory_space<semaphore_mem>>) src(%dma_wait3A_645 : memref<128x32xf32, #tpu.memory_space<vmem>>) dst(%dma_wait3A_641 : memref<128x32xf32, #tpu.memory_space<hbm>>)
        %dma_start3A_646 = arith.constant 1 : i32
        %dma_start3A_647 = arith.constant 1 : i32
        %dma_start3A_648 = arith.constant 0 : i32
        %dma_start3A_649 = arith.constant 0 : i32
        %dma_start3A_650 = tpu.memref_slice %arg6[%dma_start3A_646, %dma_start3A_648, %dma_start3A_649] : memref<8x128x32xf32, #tpu.memory_space<vmem>> -> memref<1x128x32xf32, #tpu.memory_space<vmem>>
        %dma_start3A_651 = tpu.memref_squeeze %dma_start3A_650 : memref<1x128x32xf32, #tpu.memory_space<vmem>> -> memref<128x32xf32, #tpu.memory_space<vmem>>
        %dma_start3A_652 = arith.constant 0 : i32
        %dma_start3A_653 = tpu.memref_slice %arg5[%add3A_386, %dma_start3A_652] : memref<200x128xi32, #tpu.memory_space<vmem>> -> memref<1x128xi32, #tpu.memory_space<vmem>>
        %dma_start3A_654 = tpu.memref_squeeze %dma_start3A_653 : memref<1x128xi32, #tpu.memory_space<vmem>> -> memref<128xi32, #tpu.memory_space<vmem>>
        %dma_start3A_655 = arith.constant 0 : i32
        %dma_start3A_656 = arith.constant 0 : i32
        %dma_start3A_657 = tpu.memref_slice %arg3[%dma_start3A_655, %dma_start3A_656] : memref<100001x32xf32, #tpu.memory_space<hbm>> -> memref<100001x32xf32, #tpu.memory_space<hbm>>
        %dma_start3A_658 = tpu.memref_slice %arg7[%dma_start3A_647] : memref<8x!tpu.dma_semaphore, #tpu.memory_space<semaphore_mem>> -> memref<1x!tpu.dma_semaphore, #tpu.memory_space<semaphore_mem>>
        %dma_start3A_659 = tpu.memref_squeeze %dma_start3A_658 : memref<1x!tpu.dma_semaphore, #tpu.memory_space<semaphore_mem>> -> memref<!tpu.dma_semaphore, #tpu.memory_space<semaphore_mem>>
        tpu.enqueue_indirect_dma source(%dma_start3A_657 : memref<100001x32xf32, #tpu.memory_space<hbm>>) target(%dma_start3A_651 : memref<128x32xf32, #tpu.memory_space<vmem>>) offsets(%dma_start3A_654 : memref<128xi32, #tpu.memory_space<vmem>>) semaphore(%dma_start3A_659 : memref<!tpu.dma_semaphore, #tpu.memory_space<semaphore_mem>>)
      } else {
      }
      %add3A_395 = arith.constant 3 : i32
      %add3A_396 = arith.addi %add3A_259, %add3A_395 : i32
      %dma_wait3A_397 = arith.constant 3 : i32
      %dma_wait3A_398 = arith.constant 3 : i32
      %dma_wait3A_399 = arith.constant 0 : i32
      %dma_wait3A_400 = arith.constant 0 : i32
      %dma_wait3A_401 = tpu.memref_slice %arg6[%dma_wait3A_397, %dma_wait3A_399, %dma_wait3A_400] : memref<8x128x32xf32, #tpu.memory_space<vmem>> -> memref<1x128x32xf32, #tpu.memory_space<vmem>>
      %dma_wait3A_402 = tpu.memref_squeeze %dma_wait3A_401 : memref<1x128x32xf32, #tpu.memory_space<vmem>> -> memref<128x32xf32, #tpu.memory_space<vmem>>
      %dma_wait3A_403 = arith.constant 0 : i32
      %dma_wait3A_404 = tpu.memref_slice %arg5[%add3A_396, %dma_wait3A_403] : memref<200x128xi32, #tpu.memory_space<vmem>> -> memref<1x128xi32, #tpu.memory_space<vmem>>
      %dma_wait3A_405 = tpu.memref_squeeze %dma_wait3A_404 : memref<1x128xi32, #tpu.memory_space<vmem>> -> memref<128xi32, #tpu.memory_space<vmem>>
      %dma_wait3A_406 = arith.constant 0 : i32
      %dma_wait3A_407 = arith.constant 0 : i32
      %dma_wait3A_408 = tpu.memref_slice %arg3[%dma_wait3A_406, %dma_wait3A_407] : memref<100001x32xf32, #tpu.memory_space<hbm>> -> memref<100001x32xf32, #tpu.memory_space<hbm>>
      %dma_wait3A_409 = tpu.memref_slice %arg7[%dma_wait3A_398] : memref<8x!tpu.dma_semaphore, #tpu.memory_space<semaphore_mem>> -> memref<1x!tpu.dma_semaphore, #tpu.memory_space<semaphore_mem>>
      %dma_wait3A_410 = tpu.memref_squeeze %dma_wait3A_409 : memref<1x!tpu.dma_semaphore, #tpu.memory_space<semaphore_mem>> -> memref<!tpu.dma_semaphore, #tpu.memory_space<semaphore_mem>>
      tpu.wait_indirect_dma semaphore(%dma_wait3A_410 : memref<!tpu.dma_semaphore, #tpu.memory_space<semaphore_mem>>) src(%dma_wait3A_408 : memref<100001x32xf32, #tpu.memory_space<hbm>>) dst(%dma_wait3A_402 : memref<128x32xf32, #tpu.memory_space<vmem>>)
      %mul3A_411 = arith.constant 128 : i32
      %mul3A_412 = arith.muli %add3A_396, %mul3A_411 : i32
      %add3A_413 = arith.addi %mul3A_4, %mul3A_412 : i32
      %dma_start3A_414 = arith.constant 3 : i32
      %dma_start3A_415 = arith.constant 3 : i32
      %dma_start3A_416 = arith.constant 0 : i32
      %dma_start3A_417 = arith.constant 0 : i32
      %dma_start3A_418 = tpu.memref_slice %arg6[%dma_start3A_414, %dma_start3A_416, %dma_start3A_417] : memref<8x128x32xf32, #tpu.memory_space<vmem>> -> memref<1x128x32xf32, #tpu.memory_space<vmem>>
      %dma_start3A_419 = tpu.memref_squeeze %dma_start3A_418 : memref<1x128x32xf32, #tpu.memory_space<vmem>> -> memref<128x32xf32, #tpu.memory_space<vmem>>
      %dma_start3A_420 = arith.constant 0 : i32
      %dma_start3A_421 = tpu.memref_slice %arg4[%add3A_413, %dma_start3A_420] : memref<819200x32xf32, #tpu.memory_space<hbm>> -> memref<128x32xf32, #tpu.memory_space<hbm>>
      %dma_start3A_422 = tpu.memref_slice %arg8[%dma_start3A_415] : memref<8x!tpu.dma_semaphore, #tpu.memory_space<semaphore_mem>> -> memref<1x!tpu.dma_semaphore, #tpu.memory_space<semaphore_mem>>
      %dma_start3A_423 = tpu.memref_squeeze %dma_start3A_422 : memref<1x!tpu.dma_semaphore, #tpu.memory_space<semaphore_mem>> -> memref<!tpu.dma_semaphore, #tpu.memory_space<semaphore_mem>>
      %dma_start3A_424 = arith.constant 0 : i32
      %dma_start3A_425 = tpu.memref_slice %arg4[%add3A_413, %dma_start3A_424] : memref<819200x32xf32, #tpu.memory_space<hbm>> -> memref<128x32xf32, #tpu.memory_space<hbm>>
      %dma_start3A_426 = arith.constant 0 : i32
      %dma_start3A_427 = arith.constant 0 : i32
      %dma_start3A_428 = tpu.memref_slice %arg6[%dma_start3A_414, %dma_start3A_426, %dma_start3A_427] : memref<8x128x32xf32, #tpu.memory_space<vmem>> -> memref<1x128x32xf32, #tpu.memory_space<vmem>>
      %dma_start3A_429 = tpu.memref_squeeze %dma_start3A_428 : memref<1x128x32xf32, #tpu.memory_space<vmem>> -> memref<128x32xf32, #tpu.memory_space<vmem>>
      tpu.enqueue_dma source(%dma_start3A_429 : memref<128x32xf32, #tpu.memory_space<vmem>>) target(%dma_start3A_425 : memref<128x32xf32, #tpu.memory_space<hbm>>) target_semaphore(%dma_start3A_423 : memref<!tpu.dma_semaphore, #tpu.memory_space<semaphore_mem>>)
      %sub3A_430 = arith.constant 1 : i32
      %sub3A_431 = arith.subi %add3A_396, %sub3A_430 : i32
      %add3A_432 = arith.constant 8 : i32
      %add3A_433 = arith.addi %sub3A_431, %add3A_432 : i32
      %ge3A_434 = arith.constant 1 : i32
      %ge3A_435 = arith.cmpi sge, %add3A_396, %ge3A_434 : i32
      %lt3A_436 = arith.constant 200 : i32
      %lt3A_437 = arith.cmpi slt, %add3A_433, %lt3A_436 : i32
      %and3A_438 = arith.andi %ge3A_435, %lt3A_437 : i1
      %convert_element_type3A_439 = arith.extui %and3A_438 : i1 to i32
      %cond3A_440 = arith.constant 0 : i32
      %cond3A_441 = arith.cmpi ne, %convert_element_type3A_439, %cond3A_440 : i32
      scf.if %cond3A_441 {
        %dma_wait3A_630 = arith.constant 2 : i32
        %dma_wait3A_631 = arith.constant 2 : i32
        %dma_wait3A_632 = arith.constant 0 : i32
        %dma_wait3A_633 = arith.constant 0 : i32
        %dma_wait3A_634 = tpu.memref_slice %arg6[%dma_wait3A_630, %dma_wait3A_632, %dma_wait3A_633] : memref<8x128x32xf32, #tpu.memory_space<vmem>> -> memref<1x128x32xf32, #tpu.memory_space<vmem>>
        %dma_wait3A_635 = tpu.memref_squeeze %dma_wait3A_634 : memref<1x128x32xf32, #tpu.memory_space<vmem>> -> memref<128x32xf32, #tpu.memory_space<vmem>>
        %dma_wait3A_636 = arith.constant 0 : i32
        %dma_wait3A_637 = tpu.memref_slice %arg4[%mul3A_4, %dma_wait3A_636] : memref<819200x32xf32, #tpu.memory_space<hbm>> -> memref<128x32xf32, #tpu.memory_space<hbm>>
        %dma_wait3A_638 = tpu.memref_slice %arg8[%dma_wait3A_631] : memref<8x!tpu.dma_semaphore, #tpu.memory_space<semaphore_mem>> -> memref<1x!tpu.dma_semaphore, #tpu.memory_space<semaphore_mem>>
        %dma_wait3A_639 = tpu.memref_squeeze %dma_wait3A_638 : memref<1x!tpu.dma_semaphore, #tpu.memory_space<semaphore_mem>> -> memref<!tpu.dma_semaphore, #tpu.memory_space<semaphore_mem>>
        %dma_wait3A_640 = arith.constant 0 : i32
        %dma_wait3A_641 = tpu.memref_slice %arg4[%mul3A_4, %dma_wait3A_640] : memref<819200x32xf32, #tpu.memory_space<hbm>> -> memref<128x32xf32, #tpu.memory_space<hbm>>
        %dma_wait3A_642 = arith.constant 0 : i32
        %dma_wait3A_643 = arith.constant 0 : i32
        %dma_wait3A_644 = tpu.memref_slice %arg6[%dma_wait3A_630, %dma_wait3A_642, %dma_wait3A_643] : memref<8x128x32xf32, #tpu.memory_space<vmem>> -> memref<1x128x32xf32, #tpu.memory_space<vmem>>
        %dma_wait3A_645 = tpu.memref_squeeze %dma_wait3A_644 : memref<1x128x32xf32, #tpu.memory_space<vmem>> -> memref<128x32xf32, #tpu.memory_space<vmem>>
        tpu.wait_dma2 semaphore(%dma_wait3A_639 : memref<!tpu.dma_semaphore, #tpu.memory_space<semaphore_mem>>) src(%dma_wait3A_645 : memref<128x32xf32, #tpu.memory_space<vmem>>) dst(%dma_wait3A_641 : memref<128x32xf32, #tpu.memory_space<hbm>>)
        %dma_start3A_646 = arith.constant 2 : i32
        %dma_start3A_647 = arith.constant 2 : i32
        %dma_start3A_648 = arith.constant 0 : i32
        %dma_start3A_649 = arith.constant 0 : i32
        %dma_start3A_650 = tpu.memref_slice %arg6[%dma_start3A_646, %dma_start3A_648, %dma_start3A_649] : memref<8x128x32xf32, #tpu.memory_space<vmem>> -> memref<1x128x32xf32, #tpu.memory_space<vmem>>
        %dma_start3A_651 = tpu.memref_squeeze %dma_start3A_650 : memref<1x128x32xf32, #tpu.memory_space<vmem>> -> memref<128x32xf32, #tpu.memory_space<vmem>>
        %dma_start3A_652 = arith.constant 0 : i32
        %dma_start3A_653 = tpu.memref_slice %arg5[%add3A_433, %dma_start3A_652] : memref<200x128xi32, #tpu.memory_space<vmem>> -> memref<1x128xi32, #tpu.memory_space<vmem>>
        %dma_start3A_654 = tpu.memref_squeeze %dma_start3A_653 : memref<1x128xi32, #tpu.memory_space<vmem>> -> memref<128xi32, #tpu.memory_space<vmem>>
        %dma_start3A_655 = arith.constant 0 : i32
        %dma_start3A_656 = arith.constant 0 : i32
        %dma_start3A_657 = tpu.memref_slice %arg3[%dma_start3A_655, %dma_start3A_656] : memref<100001x32xf32, #tpu.memory_space<hbm>> -> memref<100001x32xf32, #tpu.memory_space<hbm>>
        %dma_start3A_658 = tpu.memref_slice %arg7[%dma_start3A_647] : memref<8x!tpu.dma_semaphore, #tpu.memory_space<semaphore_mem>> -> memref<1x!tpu.dma_semaphore, #tpu.memory_space<semaphore_mem>>
        %dma_start3A_659 = tpu.memref_squeeze %dma_start3A_658 : memref<1x!tpu.dma_semaphore, #tpu.memory_space<semaphore_mem>> -> memref<!tpu.dma_semaphore, #tpu.memory_space<semaphore_mem>>
        tpu.enqueue_indirect_dma source(%dma_start3A_657 : memref<100001x32xf32, #tpu.memory_space<hbm>>) target(%dma_start3A_651 : memref<128x32xf32, #tpu.memory_space<vmem>>) offsets(%dma_start3A_654 : memref<128xi32, #tpu.memory_space<vmem>>) semaphore(%dma_start3A_659 : memref<!tpu.dma_semaphore, #tpu.memory_space<semaphore_mem>>)
      } else {
      }
      %add3A_442 = arith.constant 4 : i32
      %add3A_443 = arith.addi %add3A_259, %add3A_442 : i32
      %dma_wait3A_444 = arith.constant 4 : i32
      %dma_wait3A_445 = arith.constant 4 : i32
      %dma_wait3A_446 = arith.constant 0 : i32
      %dma_wait3A_447 = arith.constant 0 : i32
      %dma_wait3A_448 = tpu.memref_slice %arg6[%dma_wait3A_444, %dma_wait3A_446, %dma_wait3A_447] : memref<8x128x32xf32, #tpu.memory_space<vmem>> -> memref<1x128x32xf32, #tpu.memory_space<vmem>>
      %dma_wait3A_449 = tpu.memref_squeeze %dma_wait3A_448 : memref<1x128x32xf32, #tpu.memory_space<vmem>> -> memref<128x32xf32, #tpu.memory_space<vmem>>
      %dma_wait3A_450 = arith.constant 0 : i32
      %dma_wait3A_451 = tpu.memref_slice %arg5[%add3A_443, %dma_wait3A_450] : memref<200x128xi32, #tpu.memory_space<vmem>> -> memref<1x128xi32, #tpu.memory_space<vmem>>
      %dma_wait3A_452 = tpu.memref_squeeze %dma_wait3A_451 : memref<1x128xi32, #tpu.memory_space<vmem>> -> memref<128xi32, #tpu.memory_space<vmem>>
      %dma_wait3A_453 = arith.constant 0 : i32
      %dma_wait3A_454 = arith.constant 0 : i32
      %dma_wait3A_455 = tpu.memref_slice %arg3[%dma_wait3A_453, %dma_wait3A_454] : memref<100001x32xf32, #tpu.memory_space<hbm>> -> memref<100001x32xf32, #tpu.memory_space<hbm>>
      %dma_wait3A_456 = tpu.memref_slice %arg7[%dma_wait3A_445] : memref<8x!tpu.dma_semaphore, #tpu.memory_space<semaphore_mem>> -> memref<1x!tpu.dma_semaphore, #tpu.memory_space<semaphore_mem>>
      %dma_wait3A_457 = tpu.memref_squeeze %dma_wait3A_456 : memref<1x!tpu.dma_semaphore, #tpu.memory_space<semaphore_mem>> -> memref<!tpu.dma_semaphore, #tpu.memory_space<semaphore_mem>>
      tpu.wait_indirect_dma semaphore(%dma_wait3A_457 : memref<!tpu.dma_semaphore, #tpu.memory_space<semaphore_mem>>) src(%dma_wait3A_455 : memref<100001x32xf32, #tpu.memory_space<hbm>>) dst(%dma_wait3A_449 : memref<128x32xf32, #tpu.memory_space<vmem>>)
      %mul3A_458 = arith.constant 128 : i32
      %mul3A_459 = arith.muli %add3A_443, %mul3A_458 : i32
      %add3A_460 = arith.addi %mul3A_4, %mul3A_459 : i32
      %dma_start3A_461 = arith.constant 4 : i32
      %dma_start3A_462 = arith.constant 4 : i32
      %dma_start3A_463 = arith.constant 0 : i32
      %dma_start3A_464 = arith.constant 0 : i32
      %dma_start3A_465 = tpu.memref_slice %arg6[%dma_start3A_461, %dma_start3A_463, %dma_start3A_464] : memref<8x128x32xf32, #tpu.memory_space<vmem>> -> memref<1x128x32xf32, #tpu.memory_space<vmem>>
      %dma_start3A_466 = tpu.memref_squeeze %dma_start3A_465 : memref<1x128x32xf32, #tpu.memory_space<vmem>> -> memref<128x32xf32, #tpu.memory_space<vmem>>
      %dma_start3A_467 = arith.constant 0 : i32
      %dma_start3A_468 = tpu.memref_slice %arg4[%add3A_460, %dma_start3A_467] : memref<819200x32xf32, #tpu.memory_space<hbm>> -> memref<128x32xf32, #tpu.memory_space<hbm>>
      %dma_start3A_469 = tpu.memref_slice %arg8[%dma_start3A_462] : memref<8x!tpu.dma_semaphore, #tpu.memory_space<semaphore_mem>> -> memref<1x!tpu.dma_semaphore, #tpu.memory_space<semaphore_mem>>
      %dma_start3A_470 = tpu.memref_squeeze %dma_start3A_469 : memref<1x!tpu.dma_semaphore, #tpu.memory_space<semaphore_mem>> -> memref<!tpu.dma_semaphore, #tpu.memory_space<semaphore_mem>>
      %dma_start3A_471 = arith.constant 0 : i32
      %dma_start3A_472 = tpu.memref_slice %arg4[%add3A_460, %dma_start3A_471] : memref<819200x32xf32, #tpu.memory_space<hbm>> -> memref<128x32xf32, #tpu.memory_space<hbm>>
      %dma_start3A_473 = arith.constant 0 : i32
      %dma_start3A_474 = arith.constant 0 : i32
      %dma_start3A_475 = tpu.memref_slice %arg6[%dma_start3A_461, %dma_start3A_473, %dma_start3A_474] : memref<8x128x32xf32, #tpu.memory_space<vmem>> -> memref<1x128x32xf32, #tpu.memory_space<vmem>>
      %dma_start3A_476 = tpu.memref_squeeze %dma_start3A_475 : memref<1x128x32xf32, #tpu.memory_space<vmem>> -> memref<128x32xf32, #tpu.memory_space<vmem>>
      tpu.enqueue_dma source(%dma_start3A_476 : memref<128x32xf32, #tpu.memory_space<vmem>>) target(%dma_start3A_472 : memref<128x32xf32, #tpu.memory_space<hbm>>) target_semaphore(%dma_start3A_470 : memref<!tpu.dma_semaphore, #tpu.memory_space<semaphore_mem>>)
      %sub3A_477 = arith.constant 1 : i32
      %sub3A_478 = arith.subi %add3A_443, %sub3A_477 : i32
      %add3A_479 = arith.constant 8 : i32
      %add3A_480 = arith.addi %sub3A_478, %add3A_479 : i32
      %ge3A_481 = arith.constant 1 : i32
      %ge3A_482 = arith.cmpi sge, %add3A_443, %ge3A_481 : i32
      %lt3A_483 = arith.constant 200 : i32
      %lt3A_484 = arith.cmpi slt, %add3A_480, %lt3A_483 : i32
      %and3A_485 = arith.andi %ge3A_482, %lt3A_484 : i1
      %convert_element_type3A_486 = arith.extui %and3A_485 : i1 to i32
      %cond3A_487 = arith.constant 0 : i32
      %cond3A_488 = arith.cmpi ne, %convert_element_type3A_486, %cond3A_487 : i32
      scf.if %cond3A_488 {
        %dma_wait3A_630 = arith.constant 3 : i32
        %dma_wait3A_631 = arith.constant 3 : i32
        %dma_wait3A_632 = arith.constant 0 : i32
        %dma_wait3A_633 = arith.constant 0 : i32
        %dma_wait3A_634 = tpu.memref_slice %arg6[%dma_wait3A_630, %dma_wait3A_632, %dma_wait3A_633] : memref<8x128x32xf32, #tpu.memory_space<vmem>> -> memref<1x128x32xf32, #tpu.memory_space<vmem>>
        %dma_wait3A_635 = tpu.memref_squeeze %dma_wait3A_634 : memref<1x128x32xf32, #tpu.memory_space<vmem>> -> memref<128x32xf32, #tpu.memory_space<vmem>>
        %dma_wait3A_636 = arith.constant 0 : i32
        %dma_wait3A_637 = tpu.memref_slice %arg4[%mul3A_4, %dma_wait3A_636] : memref<819200x32xf32, #tpu.memory_space<hbm>> -> memref<128x32xf32, #tpu.memory_space<hbm>>
        %dma_wait3A_638 = tpu.memref_slice %arg8[%dma_wait3A_631] : memref<8x!tpu.dma_semaphore, #tpu.memory_space<semaphore_mem>> -> memref<1x!tpu.dma_semaphore, #tpu.memory_space<semaphore_mem>>
        %dma_wait3A_639 = tpu.memref_squeeze %dma_wait3A_638 : memref<1x!tpu.dma_semaphore, #tpu.memory_space<semaphore_mem>> -> memref<!tpu.dma_semaphore, #tpu.memory_space<semaphore_mem>>
        %dma_wait3A_640 = arith.constant 0 : i32
        %dma_wait3A_641 = tpu.memref_slice %arg4[%mul3A_4, %dma_wait3A_640] : memref<819200x32xf32, #tpu.memory_space<hbm>> -> memref<128x32xf32, #tpu.memory_space<hbm>>
        %dma_wait3A_642 = arith.constant 0 : i32
        %dma_wait3A_643 = arith.constant 0 : i32
        %dma_wait3A_644 = tpu.memref_slice %arg6[%dma_wait3A_630, %dma_wait3A_642, %dma_wait3A_643] : memref<8x128x32xf32, #tpu.memory_space<vmem>> -> memref<1x128x32xf32, #tpu.memory_space<vmem>>
        %dma_wait3A_645 = tpu.memref_squeeze %dma_wait3A_644 : memref<1x128x32xf32, #tpu.memory_space<vmem>> -> memref<128x32xf32, #tpu.memory_space<vmem>>
        tpu.wait_dma2 semaphore(%dma_wait3A_639 : memref<!tpu.dma_semaphore, #tpu.memory_space<semaphore_mem>>) src(%dma_wait3A_645 : memref<128x32xf32, #tpu.memory_space<vmem>>) dst(%dma_wait3A_641 : memref<128x32xf32, #tpu.memory_space<hbm>>)
        %dma_start3A_646 = arith.constant 3 : i32
        %dma_start3A_647 = arith.constant 3 : i32
        %dma_start3A_648 = arith.constant 0 : i32
        %dma_start3A_649 = arith.constant 0 : i32
        %dma_start3A_650 = tpu.memref_slice %arg6[%dma_start3A_646, %dma_start3A_648, %dma_start3A_649] : memref<8x128x32xf32, #tpu.memory_space<vmem>> -> memref<1x128x32xf32, #tpu.memory_space<vmem>>
        %dma_start3A_651 = tpu.memref_squeeze %dma_start3A_650 : memref<1x128x32xf32, #tpu.memory_space<vmem>> -> memref<128x32xf32, #tpu.memory_space<vmem>>
        %dma_start3A_652 = arith.constant 0 : i32
        %dma_start3A_653 = tpu.memref_slice %arg5[%add3A_480, %dma_start3A_652] : memref<200x128xi32, #tpu.memory_space<vmem>> -> memref<1x128xi32, #tpu.memory_space<vmem>>
        %dma_start3A_654 = tpu.memref_squeeze %dma_start3A_653 : memref<1x128xi32, #tpu.memory_space<vmem>> -> memref<128xi32, #tpu.memory_space<vmem>>
        %dma_start3A_655 = arith.constant 0 : i32
        %dma_start3A_656 = arith.constant 0 : i32
        %dma_start3A_657 = tpu.memref_slice %arg3[%dma_start3A_655, %dma_start3A_656] : memref<100001x32xf32, #tpu.memory_space<hbm>> -> memref<100001x32xf32, #tpu.memory_space<hbm>>
        %dma_start3A_658 = tpu.memref_slice %arg7[%dma_start3A_647] : memref<8x!tpu.dma_semaphore, #tpu.memory_space<semaphore_mem>> -> memref<1x!tpu.dma_semaphore, #tpu.memory_space<semaphore_mem>>
        %dma_start3A_659 = tpu.memref_squeeze %dma_start3A_658 : memref<1x!tpu.dma_semaphore, #tpu.memory_space<semaphore_mem>> -> memref<!tpu.dma_semaphore, #tpu.memory_space<semaphore_mem>>
        tpu.enqueue_indirect_dma source(%dma_start3A_657 : memref<100001x32xf32, #tpu.memory_space<hbm>>) target(%dma_start3A_651 : memref<128x32xf32, #tpu.memory_space<vmem>>) offsets(%dma_start3A_654 : memref<128xi32, #tpu.memory_space<vmem>>) semaphore(%dma_start3A_659 : memref<!tpu.dma_semaphore, #tpu.memory_space<semaphore_mem>>)
      } else {
      }
      %add3A_489 = arith.constant 5 : i32
      %add3A_490 = arith.addi %add3A_259, %add3A_489 : i32
      %dma_wait3A_491 = arith.constant 5 : i32
      %dma_wait3A_492 = arith.constant 5 : i32
      %dma_wait3A_493 = arith.constant 0 : i32
      %dma_wait3A_494 = arith.constant 0 : i32
      %dma_wait3A_495 = tpu.memref_slice %arg6[%dma_wait3A_491, %dma_wait3A_493, %dma_wait3A_494] : memref<8x128x32xf32, #tpu.memory_space<vmem>> -> memref<1x128x32xf32, #tpu.memory_space<vmem>>
      %dma_wait3A_496 = tpu.memref_squeeze %dma_wait3A_495 : memref<1x128x32xf32, #tpu.memory_space<vmem>> -> memref<128x32xf32, #tpu.memory_space<vmem>>
      %dma_wait3A_497 = arith.constant 0 : i32
      %dma_wait3A_498 = tpu.memref_slice %arg5[%add3A_490, %dma_wait3A_497] : memref<200x128xi32, #tpu.memory_space<vmem>> -> memref<1x128xi32, #tpu.memory_space<vmem>>
      %dma_wait3A_499 = tpu.memref_squeeze %dma_wait3A_498 : memref<1x128xi32, #tpu.memory_space<vmem>> -> memref<128xi32, #tpu.memory_space<vmem>>
      %dma_wait3A_500 = arith.constant 0 : i32
      %dma_wait3A_501 = arith.constant 0 : i32
      %dma_wait3A_502 = tpu.memref_slice %arg3[%dma_wait3A_500, %dma_wait3A_501] : memref<100001x32xf32, #tpu.memory_space<hbm>> -> memref<100001x32xf32, #tpu.memory_space<hbm>>
      %dma_wait3A_503 = tpu.memref_slice %arg7[%dma_wait3A_492] : memref<8x!tpu.dma_semaphore, #tpu.memory_space<semaphore_mem>> -> memref<1x!tpu.dma_semaphore, #tpu.memory_space<semaphore_mem>>
      %dma_wait3A_504 = tpu.memref_squeeze %dma_wait3A_503 : memref<1x!tpu.dma_semaphore, #tpu.memory_space<semaphore_mem>> -> memref<!tpu.dma_semaphore, #tpu.memory_space<semaphore_mem>>
      tpu.wait_indirect_dma semaphore(%dma_wait3A_504 : memref<!tpu.dma_semaphore, #tpu.memory_space<semaphore_mem>>) src(%dma_wait3A_502 : memref<100001x32xf32, #tpu.memory_space<hbm>>) dst(%dma_wait3A_496 : memref<128x32xf32, #tpu.memory_space<vmem>>)
      %mul3A_505 = arith.constant 128 : i32
      %mul3A_506 = arith.muli %add3A_490, %mul3A_505 : i32
      %add3A_507 = arith.addi %mul3A_4, %mul3A_506 : i32
      %dma_start3A_508 = arith.constant 5 : i32
      %dma_start3A_509 = arith.constant 5 : i32
      %dma_start3A_510 = arith.constant 0 : i32
      %dma_start3A_511 = arith.constant 0 : i32
      %dma_start3A_512 = tpu.memref_slice %arg6[%dma_start3A_508, %dma_start3A_510, %dma_start3A_511] : memref<8x128x32xf32, #tpu.memory_space<vmem>> -> memref<1x128x32xf32, #tpu.memory_space<vmem>>
      %dma_start3A_513 = tpu.memref_squeeze %dma_start3A_512 : memref<1x128x32xf32, #tpu.memory_space<vmem>> -> memref<128x32xf32, #tpu.memory_space<vmem>>
      %dma_start3A_514 = arith.constant 0 : i32
      %dma_start3A_515 = tpu.memref_slice %arg4[%add3A_507, %dma_start3A_514] : memref<819200x32xf32, #tpu.memory_space<hbm>> -> memref<128x32xf32, #tpu.memory_space<hbm>>
      %dma_start3A_516 = tpu.memref_slice %arg8[%dma_start3A_509] : memref<8x!tpu.dma_semaphore, #tpu.memory_space<semaphore_mem>> -> memref<1x!tpu.dma_semaphore, #tpu.memory_space<semaphore_mem>>
      %dma_start3A_517 = tpu.memref_squeeze %dma_start3A_516 : memref<1x!tpu.dma_semaphore, #tpu.memory_space<semaphore_mem>> -> memref<!tpu.dma_semaphore, #tpu.memory_space<semaphore_mem>>
      %dma_start3A_518 = arith.constant 0 : i32
      %dma_start3A_519 = tpu.memref_slice %arg4[%add3A_507, %dma_start3A_518] : memref<819200x32xf32, #tpu.memory_space<hbm>> -> memref<128x32xf32, #tpu.memory_space<hbm>>
      %dma_start3A_520 = arith.constant 0 : i32
      %dma_start3A_521 = arith.constant 0 : i32
      %dma_start3A_522 = tpu.memref_slice %arg6[%dma_start3A_508, %dma_start3A_520, %dma_start3A_521] : memref<8x128x32xf32, #tpu.memory_space<vmem>> -> memref<1x128x32xf32, #tpu.memory_space<vmem>>
      %dma_start3A_523 = tpu.memref_squeeze %dma_start3A_522 : memref<1x128x32xf32, #tpu.memory_space<vmem>> -> memref<128x32xf32, #tpu.memory_space<vmem>>
      tpu.enqueue_dma source(%dma_start3A_523 : memref<128x32xf32, #tpu.memory_space<vmem>>) target(%dma_start3A_519 : memref<128x32xf32, #tpu.memory_space<hbm>>) target_semaphore(%dma_start3A_517 : memref<!tpu.dma_semaphore, #tpu.memory_space<semaphore_mem>>)
      %sub3A_524 = arith.constant 1 : i32
      %sub3A_525 = arith.subi %add3A_490, %sub3A_524 : i32
      %add3A_526 = arith.constant 8 : i32
      %add3A_527 = arith.addi %sub3A_525, %add3A_526 : i32
      %ge3A_528 = arith.constant 1 : i32
      %ge3A_529 = arith.cmpi sge, %add3A_490, %ge3A_528 : i32
      %lt3A_530 = arith.constant 200 : i32
      %lt3A_531 = arith.cmpi slt, %add3A_527, %lt3A_530 : i32
      %and3A_532 = arith.andi %ge3A_529, %lt3A_531 : i1
      %convert_element_type3A_533 = arith.extui %and3A_532 : i1 to i32
      %cond3A_534 = arith.constant 0 : i32
      %cond3A_535 = arith.cmpi ne, %convert_element_type3A_533, %cond3A_534 : i32
      scf.if %cond3A_535 {
        %dma_wait3A_630 = arith.constant 4 : i32
        %dma_wait3A_631 = arith.constant 4 : i32
        %dma_wait3A_632 = arith.constant 0 : i32
        %dma_wait3A_633 = arith.constant 0 : i32
        %dma_wait3A_634 = tpu.memref_slice %arg6[%dma_wait3A_630, %dma_wait3A_632, %dma_wait3A_633] : memref<8x128x32xf32, #tpu.memory_space<vmem>> -> memref<1x128x32xf32, #tpu.memory_space<vmem>>
        %dma_wait3A_635 = tpu.memref_squeeze %dma_wait3A_634 : memref<1x128x32xf32, #tpu.memory_space<vmem>> -> memref<128x32xf32, #tpu.memory_space<vmem>>
        %dma_wait3A_636 = arith.constant 0 : i32
        %dma_wait3A_637 = tpu.memref_slice %arg4[%mul3A_4, %dma_wait3A_636] : memref<819200x32xf32, #tpu.memory_space<hbm>> -> memref<128x32xf32, #tpu.memory_space<hbm>>
        %dma_wait3A_638 = tpu.memref_slice %arg8[%dma_wait3A_631] : memref<8x!tpu.dma_semaphore, #tpu.memory_space<semaphore_mem>> -> memref<1x!tpu.dma_semaphore, #tpu.memory_space<semaphore_mem>>
        %dma_wait3A_639 = tpu.memref_squeeze %dma_wait3A_638 : memref<1x!tpu.dma_semaphore, #tpu.memory_space<semaphore_mem>> -> memref<!tpu.dma_semaphore, #tpu.memory_space<semaphore_mem>>
        %dma_wait3A_640 = arith.constant 0 : i32
        %dma_wait3A_641 = tpu.memref_slice %arg4[%mul3A_4, %dma_wait3A_640] : memref<819200x32xf32, #tpu.memory_space<hbm>> -> memref<128x32xf32, #tpu.memory_space<hbm>>
        %dma_wait3A_642 = arith.constant 0 : i32
        %dma_wait3A_643 = arith.constant 0 : i32
        %dma_wait3A_644 = tpu.memref_slice %arg6[%dma_wait3A_630, %dma_wait3A_642, %dma_wait3A_643] : memref<8x128x32xf32, #tpu.memory_space<vmem>> -> memref<1x128x32xf32, #tpu.memory_space<vmem>>
        %dma_wait3A_645 = tpu.memref_squeeze %dma_wait3A_644 : memref<1x128x32xf32, #tpu.memory_space<vmem>> -> memref<128x32xf32, #tpu.memory_space<vmem>>
        tpu.wait_dma2 semaphore(%dma_wait3A_639 : memref<!tpu.dma_semaphore, #tpu.memory_space<semaphore_mem>>) src(%dma_wait3A_645 : memref<128x32xf32, #tpu.memory_space<vmem>>) dst(%dma_wait3A_641 : memref<128x32xf32, #tpu.memory_space<hbm>>)
        %dma_start3A_646 = arith.constant 4 : i32
        %dma_start3A_647 = arith.constant 4 : i32
        %dma_start3A_648 = arith.constant 0 : i32
        %dma_start3A_649 = arith.constant 0 : i32
        %dma_start3A_650 = tpu.memref_slice %arg6[%dma_start3A_646, %dma_start3A_648, %dma_start3A_649] : memref<8x128x32xf32, #tpu.memory_space<vmem>> -> memref<1x128x32xf32, #tpu.memory_space<vmem>>
        %dma_start3A_651 = tpu.memref_squeeze %dma_start3A_650 : memref<1x128x32xf32, #tpu.memory_space<vmem>> -> memref<128x32xf32, #tpu.memory_space<vmem>>
        %dma_start3A_652 = arith.constant 0 : i32
        %dma_start3A_653 = tpu.memref_slice %arg5[%add3A_527, %dma_start3A_652] : memref<200x128xi32, #tpu.memory_space<vmem>> -> memref<1x128xi32, #tpu.memory_space<vmem>>
        %dma_start3A_654 = tpu.memref_squeeze %dma_start3A_653 : memref<1x128xi32, #tpu.memory_space<vmem>> -> memref<128xi32, #tpu.memory_space<vmem>>
        %dma_start3A_655 = arith.constant 0 : i32
        %dma_start3A_656 = arith.constant 0 : i32
        %dma_start3A_657 = tpu.memref_slice %arg3[%dma_start3A_655, %dma_start3A_656] : memref<100001x32xf32, #tpu.memory_space<hbm>> -> memref<100001x32xf32, #tpu.memory_space<hbm>>
        %dma_start3A_658 = tpu.memref_slice %arg7[%dma_start3A_647] : memref<8x!tpu.dma_semaphore, #tpu.memory_space<semaphore_mem>> -> memref<1x!tpu.dma_semaphore, #tpu.memory_space<semaphore_mem>>
        %dma_start3A_659 = tpu.memref_squeeze %dma_start3A_658 : memref<1x!tpu.dma_semaphore, #tpu.memory_space<semaphore_mem>> -> memref<!tpu.dma_semaphore, #tpu.memory_space<semaphore_mem>>
        tpu.enqueue_indirect_dma source(%dma_start3A_657 : memref<100001x32xf32, #tpu.memory_space<hbm>>) target(%dma_start3A_651 : memref<128x32xf32, #tpu.memory_space<vmem>>) offsets(%dma_start3A_654 : memref<128xi32, #tpu.memory_space<vmem>>) semaphore(%dma_start3A_659 : memref<!tpu.dma_semaphore, #tpu.memory_space<semaphore_mem>>)
      } else {
      }
      %add3A_536 = arith.constant 6 : i32
      %add3A_537 = arith.addi %add3A_259, %add3A_536 : i32
      %dma_wait3A_538 = arith.constant 6 : i32
      %dma_wait3A_539 = arith.constant 6 : i32
      %dma_wait3A_540 = arith.constant 0 : i32
      %dma_wait3A_541 = arith.constant 0 : i32
      %dma_wait3A_542 = tpu.memref_slice %arg6[%dma_wait3A_538, %dma_wait3A_540, %dma_wait3A_541] : memref<8x128x32xf32, #tpu.memory_space<vmem>> -> memref<1x128x32xf32, #tpu.memory_space<vmem>>
      %dma_wait3A_543 = tpu.memref_squeeze %dma_wait3A_542 : memref<1x128x32xf32, #tpu.memory_space<vmem>> -> memref<128x32xf32, #tpu.memory_space<vmem>>
      %dma_wait3A_544 = arith.constant 0 : i32
      %dma_wait3A_545 = tpu.memref_slice %arg5[%add3A_537, %dma_wait3A_544] : memref<200x128xi32, #tpu.memory_space<vmem>> -> memref<1x128xi32, #tpu.memory_space<vmem>>
      %dma_wait3A_546 = tpu.memref_squeeze %dma_wait3A_545 : memref<1x128xi32, #tpu.memory_space<vmem>> -> memref<128xi32, #tpu.memory_space<vmem>>
      %dma_wait3A_547 = arith.constant 0 : i32
      %dma_wait3A_548 = arith.constant 0 : i32
      %dma_wait3A_549 = tpu.memref_slice %arg3[%dma_wait3A_547, %dma_wait3A_548] : memref<100001x32xf32, #tpu.memory_space<hbm>> -> memref<100001x32xf32, #tpu.memory_space<hbm>>
      %dma_wait3A_550 = tpu.memref_slice %arg7[%dma_wait3A_539] : memref<8x!tpu.dma_semaphore, #tpu.memory_space<semaphore_mem>> -> memref<1x!tpu.dma_semaphore, #tpu.memory_space<semaphore_mem>>
      %dma_wait3A_551 = tpu.memref_squeeze %dma_wait3A_550 : memref<1x!tpu.dma_semaphore, #tpu.memory_space<semaphore_mem>> -> memref<!tpu.dma_semaphore, #tpu.memory_space<semaphore_mem>>
      tpu.wait_indirect_dma semaphore(%dma_wait3A_551 : memref<!tpu.dma_semaphore, #tpu.memory_space<semaphore_mem>>) src(%dma_wait3A_549 : memref<100001x32xf32, #tpu.memory_space<hbm>>) dst(%dma_wait3A_543 : memref<128x32xf32, #tpu.memory_space<vmem>>)
      %mul3A_552 = arith.constant 128 : i32
      %mul3A_553 = arith.muli %add3A_537, %mul3A_552 : i32
      %add3A_554 = arith.addi %mul3A_4, %mul3A_553 : i32
      %dma_start3A_555 = arith.constant 6 : i32
      %dma_start3A_556 = arith.constant 6 : i32
      %dma_start3A_557 = arith.constant 0 : i32
      %dma_start3A_558 = arith.constant 0 : i32
      %dma_start3A_559 = tpu.memref_slice %arg6[%dma_start3A_555, %dma_start3A_557, %dma_start3A_558] : memref<8x128x32xf32, #tpu.memory_space<vmem>> -> memref<1x128x32xf32, #tpu.memory_space<vmem>>
      %dma_start3A_560 = tpu.memref_squeeze %dma_start3A_559 : memref<1x128x32xf32, #tpu.memory_space<vmem>> -> memref<128x32xf32, #tpu.memory_space<vmem>>
      %dma_start3A_561 = arith.constant 0 : i32
      %dma_start3A_562 = tpu.memref_slice %arg4[%add3A_554, %dma_start3A_561] : memref<819200x32xf32, #tpu.memory_space<hbm>> -> memref<128x32xf32, #tpu.memory_space<hbm>>
      %dma_start3A_563 = tpu.memref_slice %arg8[%dma_start3A_556] : memref<8x!tpu.dma_semaphore, #tpu.memory_space<semaphore_mem>> -> memref<1x!tpu.dma_semaphore, #tpu.memory_space<semaphore_mem>>
      %dma_start3A_564 = tpu.memref_squeeze %dma_start3A_563 : memref<1x!tpu.dma_semaphore, #tpu.memory_space<semaphore_mem>> -> memref<!tpu.dma_semaphore, #tpu.memory_space<semaphore_mem>>
      %dma_start3A_565 = arith.constant 0 : i32
      %dma_start3A_566 = tpu.memref_slice %arg4[%add3A_554, %dma_start3A_565] : memref<819200x32xf32, #tpu.memory_space<hbm>> -> memref<128x32xf32, #tpu.memory_space<hbm>>
      %dma_start3A_567 = arith.constant 0 : i32
      %dma_start3A_568 = arith.constant 0 : i32
      %dma_start3A_569 = tpu.memref_slice %arg6[%dma_start3A_555, %dma_start3A_567, %dma_start3A_568] : memref<8x128x32xf32, #tpu.memory_space<vmem>> -> memref<1x128x32xf32, #tpu.memory_space<vmem>>
      %dma_start3A_570 = tpu.memref_squeeze %dma_start3A_569 : memref<1x128x32xf32, #tpu.memory_space<vmem>> -> memref<128x32xf32, #tpu.memory_space<vmem>>
      tpu.enqueue_dma source(%dma_start3A_570 : memref<128x32xf32, #tpu.memory_space<vmem>>) target(%dma_start3A_566 : memref<128x32xf32, #tpu.memory_space<hbm>>) target_semaphore(%dma_start3A_564 : memref<!tpu.dma_semaphore, #tpu.memory_space<semaphore_mem>>)
      %sub3A_571 = arith.constant 1 : i32
      %sub3A_572 = arith.subi %add3A_537, %sub3A_571 : i32
      %add3A_573 = arith.constant 8 : i32
      %add3A_574 = arith.addi %sub3A_572, %add3A_573 : i32
      %ge3A_575 = arith.constant 1 : i32
      %ge3A_576 = arith.cmpi sge, %add3A_537, %ge3A_575 : i32
      %lt3A_577 = arith.constant 200 : i32
      %lt3A_578 = arith.cmpi slt, %add3A_574, %lt3A_577 : i32
      %and3A_579 = arith.andi %ge3A_576, %lt3A_578 : i1
      %convert_element_type3A_580 = arith.extui %and3A_579 : i1 to i32
      %cond3A_581 = arith.constant 0 : i32
      %cond3A_582 = arith.cmpi ne, %convert_element_type3A_580, %cond3A_581 : i32
      scf.if %cond3A_582 {
        %dma_wait3A_630 = arith.constant 5 : i32
        %dma_wait3A_631 = arith.constant 5 : i32
        %dma_wait3A_632 = arith.constant 0 : i32
        %dma_wait3A_633 = arith.constant 0 : i32
        %dma_wait3A_634 = tpu.memref_slice %arg6[%dma_wait3A_630, %dma_wait3A_632, %dma_wait3A_633] : memref<8x128x32xf32, #tpu.memory_space<vmem>> -> memref<1x128x32xf32, #tpu.memory_space<vmem>>
        %dma_wait3A_635 = tpu.memref_squeeze %dma_wait3A_634 : memref<1x128x32xf32, #tpu.memory_space<vmem>> -> memref<128x32xf32, #tpu.memory_space<vmem>>
        %dma_wait3A_636 = arith.constant 0 : i32
        %dma_wait3A_637 = tpu.memref_slice %arg4[%mul3A_4, %dma_wait3A_636] : memref<819200x32xf32, #tpu.memory_space<hbm>> -> memref<128x32xf32, #tpu.memory_space<hbm>>
        %dma_wait3A_638 = tpu.memref_slice %arg8[%dma_wait3A_631] : memref<8x!tpu.dma_semaphore, #tpu.memory_space<semaphore_mem>> -> memref<1x!tpu.dma_semaphore, #tpu.memory_space<semaphore_mem>>
        %dma_wait3A_639 = tpu.memref_squeeze %dma_wait3A_638 : memref<1x!tpu.dma_semaphore, #tpu.memory_space<semaphore_mem>> -> memref<!tpu.dma_semaphore, #tpu.memory_space<semaphore_mem>>
        %dma_wait3A_640 = arith.constant 0 : i32
        %dma_wait3A_641 = tpu.memref_slice %arg4[%mul3A_4, %dma_wait3A_640] : memref<819200x32xf32, #tpu.memory_space<hbm>> -> memref<128x32xf32, #tpu.memory_space<hbm>>
        %dma_wait3A_642 = arith.constant 0 : i32
        %dma_wait3A_643 = arith.constant 0 : i32
        %dma_wait3A_644 = tpu.memref_slice %arg6[%dma_wait3A_630, %dma_wait3A_642, %dma_wait3A_643] : memref<8x128x32xf32, #tpu.memory_space<vmem>> -> memref<1x128x32xf32, #tpu.memory_space<vmem>>
        %dma_wait3A_645 = tpu.memref_squeeze %dma_wait3A_644 : memref<1x128x32xf32, #tpu.memory_space<vmem>> -> memref<128x32xf32, #tpu.memory_space<vmem>>
        tpu.wait_dma2 semaphore(%dma_wait3A_639 : memref<!tpu.dma_semaphore, #tpu.memory_space<semaphore_mem>>) src(%dma_wait3A_645 : memref<128x32xf32, #tpu.memory_space<vmem>>) dst(%dma_wait3A_641 : memref<128x32xf32, #tpu.memory_space<hbm>>)
        %dma_start3A_646 = arith.constant 5 : i32
        %dma_start3A_647 = arith.constant 5 : i32
        %dma_start3A_648 = arith.constant 0 : i32
        %dma_start3A_649 = arith.constant 0 : i32
        %dma_start3A_650 = tpu.memref_slice %arg6[%dma_start3A_646, %dma_start3A_648, %dma_start3A_649] : memref<8x128x32xf32, #tpu.memory_space<vmem>> -> memref<1x128x32xf32, #tpu.memory_space<vmem>>
        %dma_start3A_651 = tpu.memref_squeeze %dma_start3A_650 : memref<1x128x32xf32, #tpu.memory_space<vmem>> -> memref<128x32xf32, #tpu.memory_space<vmem>>
        %dma_start3A_652 = arith.constant 0 : i32
        %dma_start3A_653 = tpu.memref_slice %arg5[%add3A_574, %dma_start3A_652] : memref<200x128xi32, #tpu.memory_space<vmem>> -> memref<1x128xi32, #tpu.memory_space<vmem>>
        %dma_start3A_654 = tpu.memref_squeeze %dma_start3A_653 : memref<1x128xi32, #tpu.memory_space<vmem>> -> memref<128xi32, #tpu.memory_space<vmem>>
        %dma_start3A_655 = arith.constant 0 : i32
        %dma_start3A_656 = arith.constant 0 : i32
        %dma_start3A_657 = tpu.memref_slice %arg3[%dma_start3A_655, %dma_start3A_656] : memref<100001x32xf32, #tpu.memory_space<hbm>> -> memref<100001x32xf32, #tpu.memory_space<hbm>>
        %dma_start3A_658 = tpu.memref_slice %arg7[%dma_start3A_647] : memref<8x!tpu.dma_semaphore, #tpu.memory_space<semaphore_mem>> -> memref<1x!tpu.dma_semaphore, #tpu.memory_space<semaphore_mem>>
        %dma_start3A_659 = tpu.memref_squeeze %dma_start3A_658 : memref<1x!tpu.dma_semaphore, #tpu.memory_space<semaphore_mem>> -> memref<!tpu.dma_semaphore, #tpu.memory_space<semaphore_mem>>
        tpu.enqueue_indirect_dma source(%dma_start3A_657 : memref<100001x32xf32, #tpu.memory_space<hbm>>) target(%dma_start3A_651 : memref<128x32xf32, #tpu.memory_space<vmem>>) offsets(%dma_start3A_654 : memref<128xi32, #tpu.memory_space<vmem>>) semaphore(%dma_start3A_659 : memref<!tpu.dma_semaphore, #tpu.memory_space<semaphore_mem>>)
      } else {
      }
      %add3A_583 = arith.constant 7 : i32
      %add3A_584 = arith.addi %add3A_259, %add3A_583 : i32
      %dma_wait3A_585 = arith.constant 7 : i32
      %dma_wait3A_586 = arith.constant 7 : i32
      %dma_wait3A_587 = arith.constant 0 : i32
      %dma_wait3A_588 = arith.constant 0 : i32
      %dma_wait3A_589 = tpu.memref_slice %arg6[%dma_wait3A_585, %dma_wait3A_587, %dma_wait3A_588] : memref<8x128x32xf32, #tpu.memory_space<vmem>> -> memref<1x128x32xf32, #tpu.memory_space<vmem>>
      %dma_wait3A_590 = tpu.memref_squeeze %dma_wait3A_589 : memref<1x128x32xf32, #tpu.memory_space<vmem>> -> memref<128x32xf32, #tpu.memory_space<vmem>>
      %dma_wait3A_591 = arith.constant 0 : i32
      %dma_wait3A_592 = tpu.memref_slice %arg5[%add3A_584, %dma_wait3A_591] : memref<200x128xi32, #tpu.memory_space<vmem>> -> memref<1x128xi32, #tpu.memory_space<vmem>>
      %dma_wait3A_593 = tpu.memref_squeeze %dma_wait3A_592 : memref<1x128xi32, #tpu.memory_space<vmem>> -> memref<128xi32, #tpu.memory_space<vmem>>
      %dma_wait3A_594 = arith.constant 0 : i32
      %dma_wait3A_595 = arith.constant 0 : i32
      %dma_wait3A_596 = tpu.memref_slice %arg3[%dma_wait3A_594, %dma_wait3A_595] : memref<100001x32xf32, #tpu.memory_space<hbm>> -> memref<100001x32xf32, #tpu.memory_space<hbm>>
      %dma_wait3A_597 = tpu.memref_slice %arg7[%dma_wait3A_586] : memref<8x!tpu.dma_semaphore, #tpu.memory_space<semaphore_mem>> -> memref<1x!tpu.dma_semaphore, #tpu.memory_space<semaphore_mem>>
      %dma_wait3A_598 = tpu.memref_squeeze %dma_wait3A_597 : memref<1x!tpu.dma_semaphore, #tpu.memory_space<semaphore_mem>> -> memref<!tpu.dma_semaphore, #tpu.memory_space<semaphore_mem>>
      tpu.wait_indirect_dma semaphore(%dma_wait3A_598 : memref<!tpu.dma_semaphore, #tpu.memory_space<semaphore_mem>>) src(%dma_wait3A_596 : memref<100001x32xf32, #tpu.memory_space<hbm>>) dst(%dma_wait3A_590 : memref<128x32xf32, #tpu.memory_space<vmem>>)
      %mul3A_599 = arith.constant 128 : i32
      %mul3A_600 = arith.muli %add3A_584, %mul3A_599 : i32
      %add3A_601 = arith.addi %mul3A_4, %mul3A_600 : i32
      %dma_start3A_602 = arith.constant 7 : i32
      %dma_start3A_603 = arith.constant 7 : i32
      %dma_start3A_604 = arith.constant 0 : i32
      %dma_start3A_605 = arith.constant 0 : i32
      %dma_start3A_606 = tpu.memref_slice %arg6[%dma_start3A_602, %dma_start3A_604, %dma_start3A_605] : memref<8x128x32xf32, #tpu.memory_space<vmem>> -> memref<1x128x32xf32, #tpu.memory_space<vmem>>
      %dma_start3A_607 = tpu.memref_squeeze %dma_start3A_606 : memref<1x128x32xf32, #tpu.memory_space<vmem>> -> memref<128x32xf32, #tpu.memory_space<vmem>>
      %dma_start3A_608 = arith.constant 0 : i32
      %dma_start3A_609 = tpu.memref_slice %arg4[%add3A_601, %dma_start3A_608] : memref<819200x32xf32, #tpu.memory_space<hbm>> -> memref<128x32xf32, #tpu.memory_space<hbm>>
      %dma_start3A_610 = tpu.memref_slice %arg8[%dma_start3A_603] : memref<8x!tpu.dma_semaphore, #tpu.memory_space<semaphore_mem>> -> memref<1x!tpu.dma_semaphore, #tpu.memory_space<semaphore_mem>>
      %dma_start3A_611 = tpu.memref_squeeze %dma_start3A_610 : memref<1x!tpu.dma_semaphore, #tpu.memory_space<semaphore_mem>> -> memref<!tpu.dma_semaphore, #tpu.memory_space<semaphore_mem>>
      %dma_start3A_612 = arith.constant 0 : i32
      %dma_start3A_613 = tpu.memref_slice %arg4[%add3A_601, %dma_start3A_612] : memref<819200x32xf32, #tpu.memory_space<hbm>> -> memref<128x32xf32, #tpu.memory_space<hbm>>
      %dma_start3A_614 = arith.constant 0 : i32
      %dma_start3A_615 = arith.constant 0 : i32
      %dma_start3A_616 = tpu.memref_slice %arg6[%dma_start3A_602, %dma_start3A_614, %dma_start3A_615] : memref<8x128x32xf32, #tpu.memory_space<vmem>> -> memref<1x128x32xf32, #tpu.memory_space<vmem>>
      %dma_start3A_617 = tpu.memref_squeeze %dma_start3A_616 : memref<1x128x32xf32, #tpu.memory_space<vmem>> -> memref<128x32xf32, #tpu.memory_space<vmem>>
      tpu.enqueue_dma source(%dma_start3A_617 : memref<128x32xf32, #tpu.memory_space<vmem>>) target(%dma_start3A_613 : memref<128x32xf32, #tpu.memory_space<hbm>>) target_semaphore(%dma_start3A_611 : memref<!tpu.dma_semaphore, #tpu.memory_space<semaphore_mem>>)
      %sub3A_618 = arith.constant 1 : i32
      %sub3A_619 = arith.subi %add3A_584, %sub3A_618 : i32
      %add3A_620 = arith.constant 8 : i32
      %add3A_621 = arith.addi %sub3A_619, %add3A_620 : i32
      %ge3A_622 = arith.constant 1 : i32
      %ge3A_623 = arith.cmpi sge, %add3A_584, %ge3A_622 : i32
      %lt3A_624 = arith.constant 200 : i32
      %lt3A_625 = arith.cmpi slt, %add3A_621, %lt3A_624 : i32
      %and3A_626 = arith.andi %ge3A_623, %lt3A_625 : i1
      %convert_element_type3A_627 = arith.extui %and3A_626 : i1 to i32
      %cond3A_628 = arith.constant 0 : i32
      %cond3A_629 = arith.cmpi ne, %convert_element_type3A_627, %cond3A_628 : i32
      scf.if %cond3A_629 {
        %dma_wait3A_630 = arith.constant 6 : i32
        %dma_wait3A_631 = arith.constant 6 : i32
        %dma_wait3A_632 = arith.constant 0 : i32
        %dma_wait3A_633 = arith.constant 0 : i32
        %dma_wait3A_634 = tpu.memref_slice %arg6[%dma_wait3A_630, %dma_wait3A_632, %dma_wait3A_633] : memref<8x128x32xf32, #tpu.memory_space<vmem>> -> memref<1x128x32xf32, #tpu.memory_space<vmem>>
        %dma_wait3A_635 = tpu.memref_squeeze %dma_wait3A_634 : memref<1x128x32xf32, #tpu.memory_space<vmem>> -> memref<128x32xf32, #tpu.memory_space<vmem>>
        %dma_wait3A_636 = arith.constant 0 : i32
        %dma_wait3A_637 = tpu.memref_slice %arg4[%mul3A_4, %dma_wait3A_636] : memref<819200x32xf32, #tpu.memory_space<hbm>> -> memref<128x32xf32, #tpu.memory_space<hbm>>
        %dma_wait3A_638 = tpu.memref_slice %arg8[%dma_wait3A_631] : memref<8x!tpu.dma_semaphore, #tpu.memory_space<semaphore_mem>> -> memref<1x!tpu.dma_semaphore, #tpu.memory_space<semaphore_mem>>
        %dma_wait3A_639 = tpu.memref_squeeze %dma_wait3A_638 : memref<1x!tpu.dma_semaphore, #tpu.memory_space<semaphore_mem>> -> memref<!tpu.dma_semaphore, #tpu.memory_space<semaphore_mem>>
        %dma_wait3A_640 = arith.constant 0 : i32
        %dma_wait3A_641 = tpu.memref_slice %arg4[%mul3A_4, %dma_wait3A_640] : memref<819200x32xf32, #tpu.memory_space<hbm>> -> memref<128x32xf32, #tpu.memory_space<hbm>>
        %dma_wait3A_642 = arith.constant 0 : i32
        %dma_wait3A_643 = arith.constant 0 : i32
        %dma_wait3A_644 = tpu.memref_slice %arg6[%dma_wait3A_630, %dma_wait3A_642, %dma_wait3A_643] : memref<8x128x32xf32, #tpu.memory_space<vmem>> -> memref<1x128x32xf32, #tpu.memory_space<vmem>>
        %dma_wait3A_645 = tpu.memref_squeeze %dma_wait3A_644 : memref<1x128x32xf32, #tpu.memory_space<vmem>> -> memref<128x32xf32, #tpu.memory_space<vmem>>
        tpu.wait_dma2 semaphore(%dma_wait3A_639 : memref<!tpu.dma_semaphore, #tpu.memory_space<semaphore_mem>>) src(%dma_wait3A_645 : memref<128x32xf32, #tpu.memory_space<vmem>>) dst(%dma_wait3A_641 : memref<128x32xf32, #tpu.memory_space<hbm>>)
        %dma_start3A_646 = arith.constant 6 : i32
        %dma_start3A_647 = arith.constant 6 : i32
        %dma_start3A_648 = arith.constant 0 : i32
        %dma_start3A_649 = arith.constant 0 : i32
        %dma_start3A_650 = tpu.memref_slice %arg6[%dma_start3A_646, %dma_start3A_648, %dma_start3A_649] : memref<8x128x32xf32, #tpu.memory_space<vmem>> -> memref<1x128x32xf32, #tpu.memory_space<vmem>>
        %dma_start3A_651 = tpu.memref_squeeze %dma_start3A_650 : memref<1x128x32xf32, #tpu.memory_space<vmem>> -> memref<128x32xf32, #tpu.memory_space<vmem>>
        %dma_start3A_652 = arith.constant 0 : i32
        %dma_start3A_653 = tpu.memref_slice %arg5[%add3A_621, %dma_start3A_652] : memref<200x128xi32, #tpu.memory_space<vmem>> -> memref<1x128xi32, #tpu.memory_space<vmem>>
        %dma_start3A_654 = tpu.memref_squeeze %dma_start3A_653 : memref<1x128xi32, #tpu.memory_space<vmem>> -> memref<128xi32, #tpu.memory_space<vmem>>
        %dma_start3A_655 = arith.constant 0 : i32
        %dma_start3A_656 = arith.constant 0 : i32
        %dma_start3A_657 = tpu.memref_slice %arg3[%dma_start3A_655, %dma_start3A_656] : memref<100001x32xf32, #tpu.memory_space<hbm>> -> memref<100001x32xf32, #tpu.memory_space<hbm>>
        %dma_start3A_658 = tpu.memref_slice %arg7[%dma_start3A_647] : memref<8x!tpu.dma_semaphore, #tpu.memory_space<semaphore_mem>> -> memref<1x!tpu.dma_semaphore, #tpu.memory_space<semaphore_mem>>
        %dma_start3A_659 = tpu.memref_squeeze %dma_start3A_658 : memref<1x!tpu.dma_semaphore, #tpu.memory_space<semaphore_mem>> -> memref<!tpu.dma_semaphore, #tpu.memory_space<semaphore_mem>>
        tpu.enqueue_indirect_dma source(%dma_start3A_657 : memref<100001x32xf32, #tpu.memory_space<hbm>>) target(%dma_start3A_651 : memref<128x32xf32, #tpu.memory_space<vmem>>) offsets(%dma_start3A_654 : memref<128xi32, #tpu.memory_space<vmem>>) semaphore(%dma_start3A_659 : memref<!tpu.dma_semaphore, #tpu.memory_space<semaphore_mem>>)
      } else {
      }
    }
    %scan3A_127 = arith.constant 25 : i32
    %dma_wait3A = arith.constant 0 : i32
    %dma_wait3A_128 = arith.constant 0 : i32
    %dma_wait3A_129 = arith.constant 0 : i32
    %dma_wait3A_130 = arith.constant 0 : i32
    %dma_wait3A_131 = tpu.memref_slice %arg6[%dma_wait3A, %dma_wait3A_129, %dma_wait3A_130] : memref<8x128x32xf32, #tpu.memory_space<vmem>> -> memref<1x128x32xf32, #tpu.memory_space<vmem>>
    %dma_wait3A_132 = tpu.memref_squeeze %dma_wait3A_131 : memref<1x128x32xf32, #tpu.memory_space<vmem>> -> memref<128x32xf32, #tpu.memory_space<vmem>>
    %dma_wait3A_133 = arith.constant 0 : i32
    %dma_wait3A_134 = tpu.memref_slice %arg4[%mul3A_4, %dma_wait3A_133] : memref<819200x32xf32, #tpu.memory_space<hbm>> -> memref<128x32xf32, #tpu.memory_space<hbm>>
    %dma_wait3A_135 = tpu.memref_slice %arg8[%dma_wait3A_128] : memref<8x!tpu.dma_semaphore, #tpu.memory_space<semaphore_mem>> -> memref<1x!tpu.dma_semaphore, #tpu.memory_space<semaphore_mem>>
    %dma_wait3A_136 = tpu.memref_squeeze %dma_wait3A_135 : memref<1x!tpu.dma_semaphore, #tpu.memory_space<semaphore_mem>> -> memref<!tpu.dma_semaphore, #tpu.memory_space<semaphore_mem>>
    %dma_wait3A_137 = arith.constant 0 : i32
    %dma_wait3A_138 = tpu.memref_slice %arg4[%mul3A_4, %dma_wait3A_137] : memref<819200x32xf32, #tpu.memory_space<hbm>> -> memref<128x32xf32, #tpu.memory_space<hbm>>
    %dma_wait3A_139 = arith.constant 0 : i32
    %dma_wait3A_140 = arith.constant 0 : i32
    %dma_wait3A_141 = tpu.memref_slice %arg6[%dma_wait3A, %dma_wait3A_139, %dma_wait3A_140] : memref<8x128x32xf32, #tpu.memory_space<vmem>> -> memref<1x128x32xf32, #tpu.memory_space<vmem>>
    %dma_wait3A_142 = tpu.memref_squeeze %dma_wait3A_141 : memref<1x128x32xf32, #tpu.memory_space<vmem>> -> memref<128x32xf32, #tpu.memory_space<vmem>>
    tpu.wait_dma2 semaphore(%dma_wait3A_136 : memref<!tpu.dma_semaphore, #tpu.memory_space<semaphore_mem>>) src(%dma_wait3A_142 : memref<128x32xf32, #tpu.memory_space<vmem>>) dst(%dma_wait3A_138 : memref<128x32xf32, #tpu.memory_space<hbm>>)
    %dma_wait3A_143 = arith.constant 1 : i32
    %dma_wait3A_144 = arith.constant 1 : i32
    %dma_wait3A_145 = arith.constant 0 : i32
    %dma_wait3A_146 = arith.constant 0 : i32
    %dma_wait3A_147 = tpu.memref_slice %arg6[%dma_wait3A_143, %dma_wait3A_145, %dma_wait3A_146] : memref<8x128x32xf32, #tpu.memory_space<vmem>> -> memref<1x128x32xf32, #tpu.memory_space<vmem>>
    %dma_wait3A_148 = tpu.memref_squeeze %dma_wait3A_147 : memref<1x128x32xf32, #tpu.memory_space<vmem>> -> memref<128x32xf32, #tpu.memory_space<vmem>>
    %dma_wait3A_149 = arith.constant 0 : i32
    %dma_wait3A_150 = tpu.memref_slice %arg4[%mul3A_4, %dma_wait3A_149] : memref<819200x32xf32, #tpu.memory_space<hbm>> -> memref<128x32xf32, #tpu.memory_space<hbm>>
    %dma_wait3A_151 = tpu.memref_slice %arg8[%dma_wait3A_144] : memref<8x!tpu.dma_semaphore, #tpu.memory_space<semaphore_mem>> -> memref<1x!tpu.dma_semaphore, #tpu.memory_space<semaphore_mem>>
    %dma_wait3A_152 = tpu.memref_squeeze %dma_wait3A_151 : memref<1x!tpu.dma_semaphore, #tpu.memory_space<semaphore_mem>> -> memref<!tpu.dma_semaphore, #tpu.memory_space<semaphore_mem>>
    %dma_wait3A_153 = arith.constant 0 : i32
    %dma_wait3A_154 = tpu.memref_slice %arg4[%mul3A_4, %dma_wait3A_153] : memref<819200x32xf32, #tpu.memory_space<hbm>> -> memref<128x32xf32, #tpu.memory_space<hbm>>
    %dma_wait3A_155 = arith.constant 0 : i32
    %dma_wait3A_156 = arith.constant 0 : i32
    %dma_wait3A_157 = tpu.memref_slice %arg6[%dma_wait3A_143, %dma_wait3A_155, %dma_wait3A_156] : memref<8x128x32xf32, #tpu.memory_space<vmem>> -> memref<1x128x32xf32, #tpu.memory_space<vmem>>
    %dma_wait3A_158 = tpu.memref_squeeze %dma_wait3A_157 : memref<1x128x32xf32, #tpu.memory_space<vmem>> -> memref<128x32xf32, #tpu.memory_space<vmem>>
    tpu.wait_dma2 semaphore(%dma_wait3A_152 : memref<!tpu.dma_semaphore, #tpu.memory_space<semaphore_mem>>) src(%dma_wait3A_158 : memref<128x32xf32, #tpu.memory_space<vmem>>) dst(%dma_wait3A_154 : memref<128x32xf32, #tpu.memory_space<hbm>>)
    %dma_wait3A_159 = arith.constant 2 : i32
    %dma_wait3A_160 = arith.constant 2 : i32
    %dma_wait3A_161 = arith.constant 0 : i32
    %dma_wait3A_162 = arith.constant 0 : i32
    %dma_wait3A_163 = tpu.memref_slice %arg6[%dma_wait3A_159, %dma_wait3A_161, %dma_wait3A_162] : memref<8x128x32xf32, #tpu.memory_space<vmem>> -> memref<1x128x32xf32, #tpu.memory_space<vmem>>
    %dma_wait3A_164 = tpu.memref_squeeze %dma_wait3A_163 : memref<1x128x32xf32, #tpu.memory_space<vmem>> -> memref<128x32xf32, #tpu.memory_space<vmem>>
    %dma_wait3A_165 = arith.constant 0 : i32
    %dma_wait3A_166 = tpu.memref_slice %arg4[%mul3A_4, %dma_wait3A_165] : memref<819200x32xf32, #tpu.memory_space<hbm>> -> memref<128x32xf32, #tpu.memory_space<hbm>>
    %dma_wait3A_167 = tpu.memref_slice %arg8[%dma_wait3A_160] : memref<8x!tpu.dma_semaphore, #tpu.memory_space<semaphore_mem>> -> memref<1x!tpu.dma_semaphore, #tpu.memory_space<semaphore_mem>>
    %dma_wait3A_168 = tpu.memref_squeeze %dma_wait3A_167 : memref<1x!tpu.dma_semaphore, #tpu.memory_space<semaphore_mem>> -> memref<!tpu.dma_semaphore, #tpu.memory_space<semaphore_mem>>
    %dma_wait3A_169 = arith.constant 0 : i32
    %dma_wait3A_170 = tpu.memref_slice %arg4[%mul3A_4, %dma_wait3A_169] : memref<819200x32xf32, #tpu.memory_space<hbm>> -> memref<128x32xf32, #tpu.memory_space<hbm>>
    %dma_wait3A_171 = arith.constant 0 : i32
    %dma_wait3A_172 = arith.constant 0 : i32
    %dma_wait3A_173 = tpu.memref_slice %arg6[%dma_wait3A_159, %dma_wait3A_171, %dma_wait3A_172] : memref<8x128x32xf32, #tpu.memory_space<vmem>> -> memref<1x128x32xf32, #tpu.memory_space<vmem>>
    %dma_wait3A_174 = tpu.memref_squeeze %dma_wait3A_173 : memref<1x128x32xf32, #tpu.memory_space<vmem>> -> memref<128x32xf32, #tpu.memory_space<vmem>>
    tpu.wait_dma2 semaphore(%dma_wait3A_168 : memref<!tpu.dma_semaphore, #tpu.memory_space<semaphore_mem>>) src(%dma_wait3A_174 : memref<128x32xf32, #tpu.memory_space<vmem>>) dst(%dma_wait3A_170 : memref<128x32xf32, #tpu.memory_space<hbm>>)
    %dma_wait3A_175 = arith.constant 3 : i32
    %dma_wait3A_176 = arith.constant 3 : i32
    %dma_wait3A_177 = arith.constant 0 : i32
    %dma_wait3A_178 = arith.constant 0 : i32
    %dma_wait3A_179 = tpu.memref_slice %arg6[%dma_wait3A_175, %dma_wait3A_177, %dma_wait3A_178] : memref<8x128x32xf32, #tpu.memory_space<vmem>> -> memref<1x128x32xf32, #tpu.memory_space<vmem>>
    %dma_wait3A_180 = tpu.memref_squeeze %dma_wait3A_179 : memref<1x128x32xf32, #tpu.memory_space<vmem>> -> memref<128x32xf32, #tpu.memory_space<vmem>>
    %dma_wait3A_181 = arith.constant 0 : i32
    %dma_wait3A_182 = tpu.memref_slice %arg4[%mul3A_4, %dma_wait3A_181] : memref<819200x32xf32, #tpu.memory_space<hbm>> -> memref<128x32xf32, #tpu.memory_space<hbm>>
    %dma_wait3A_183 = tpu.memref_slice %arg8[%dma_wait3A_176] : memref<8x!tpu.dma_semaphore, #tpu.memory_space<semaphore_mem>> -> memref<1x!tpu.dma_semaphore, #tpu.memory_space<semaphore_mem>>
    %dma_wait3A_184 = tpu.memref_squeeze %dma_wait3A_183 : memref<1x!tpu.dma_semaphore, #tpu.memory_space<semaphore_mem>> -> memref<!tpu.dma_semaphore, #tpu.memory_space<semaphore_mem>>
    %dma_wait3A_185 = arith.constant 0 : i32
    %dma_wait3A_186 = tpu.memref_slice %arg4[%mul3A_4, %dma_wait3A_185] : memref<819200x32xf32, #tpu.memory_space<hbm>> -> memref<128x32xf32, #tpu.memory_space<hbm>>
    %dma_wait3A_187 = arith.constant 0 : i32
    %dma_wait3A_188 = arith.constant 0 : i32
    %dma_wait3A_189 = tpu.memref_slice %arg6[%dma_wait3A_175, %dma_wait3A_187, %dma_wait3A_188] : memref<8x128x32xf32, #tpu.memory_space<vmem>> -> memref<1x128x32xf32, #tpu.memory_space<vmem>>
    %dma_wait3A_190 = tpu.memref_squeeze %dma_wait3A_189 : memref<1x128x32xf32, #tpu.memory_space<vmem>> -> memref<128x32xf32, #tpu.memory_space<vmem>>
    tpu.wait_dma2 semaphore(%dma_wait3A_184 : memref<!tpu.dma_semaphore, #tpu.memory_space<semaphore_mem>>) src(%dma_wait3A_190 : memref<128x32xf32, #tpu.memory_space<vmem>>) dst(%dma_wait3A_186 : memref<128x32xf32, #tpu.memory_space<hbm>>)
    %dma_wait3A_191 = arith.constant 4 : i32
    %dma_wait3A_192 = arith.constant 4 : i32
    %dma_wait3A_193 = arith.constant 0 : i32
    %dma_wait3A_194 = arith.constant 0 : i32
    %dma_wait3A_195 = tpu.memref_slice %arg6[%dma_wait3A_191, %dma_wait3A_193, %dma_wait3A_194] : memref<8x128x32xf32, #tpu.memory_space<vmem>> -> memref<1x128x32xf32, #tpu.memory_space<vmem>>
    %dma_wait3A_196 = tpu.memref_squeeze %dma_wait3A_195 : memref<1x128x32xf32, #tpu.memory_space<vmem>> -> memref<128x32xf32, #tpu.memory_space<vmem>>
    %dma_wait3A_197 = arith.constant 0 : i32
    %dma_wait3A_198 = tpu.memref_slice %arg4[%mul3A_4, %dma_wait3A_197] : memref<819200x32xf32, #tpu.memory_space<hbm>> -> memref<128x32xf32, #tpu.memory_space<hbm>>
    %dma_wait3A_199 = tpu.memref_slice %arg8[%dma_wait3A_192] : memref<8x!tpu.dma_semaphore, #tpu.memory_space<semaphore_mem>> -> memref<1x!tpu.dma_semaphore, #tpu.memory_space<semaphore_mem>>
    %dma_wait3A_200 = tpu.memref_squeeze %dma_wait3A_199 : memref<1x!tpu.dma_semaphore, #tpu.memory_space<semaphore_mem>> -> memref<!tpu.dma_semaphore, #tpu.memory_space<semaphore_mem>>
    %dma_wait3A_201 = arith.constant 0 : i32
    %dma_wait3A_202 = tpu.memref_slice %arg4[%mul3A_4, %dma_wait3A_201] : memref<819200x32xf32, #tpu.memory_space<hbm>> -> memref<128x32xf32, #tpu.memory_space<hbm>>
    %dma_wait3A_203 = arith.constant 0 : i32
    %dma_wait3A_204 = arith.constant 0 : i32
    %dma_wait3A_205 = tpu.memref_slice %arg6[%dma_wait3A_191, %dma_wait3A_203, %dma_wait3A_204] : memref<8x128x32xf32, #tpu.memory_space<vmem>> -> memref<1x128x32xf32, #tpu.memory_space<vmem>>
    %dma_wait3A_206 = tpu.memref_squeeze %dma_wait3A_205 : memref<1x128x32xf32, #tpu.memory_space<vmem>> -> memref<128x32xf32, #tpu.memory_space<vmem>>
    tpu.wait_dma2 semaphore(%dma_wait3A_200 : memref<!tpu.dma_semaphore, #tpu.memory_space<semaphore_mem>>) src(%dma_wait3A_206 : memref<128x32xf32, #tpu.memory_space<vmem>>) dst(%dma_wait3A_202 : memref<128x32xf32, #tpu.memory_space<hbm>>)
    %dma_wait3A_207 = arith.constant 5 : i32
    %dma_wait3A_208 = arith.constant 5 : i32
    %dma_wait3A_209 = arith.constant 0 : i32
    %dma_wait3A_210 = arith.constant 0 : i32
    %dma_wait3A_211 = tpu.memref_slice %arg6[%dma_wait3A_207, %dma_wait3A_209, %dma_wait3A_210] : memref<8x128x32xf32, #tpu.memory_space<vmem>> -> memref<1x128x32xf32, #tpu.memory_space<vmem>>
    %dma_wait3A_212 = tpu.memref_squeeze %dma_wait3A_211 : memref<1x128x32xf32, #tpu.memory_space<vmem>> -> memref<128x32xf32, #tpu.memory_space<vmem>>
    %dma_wait3A_213 = arith.constant 0 : i32
    %dma_wait3A_214 = tpu.memref_slice %arg4[%mul3A_4, %dma_wait3A_213] : memref<819200x32xf32, #tpu.memory_space<hbm>> -> memref<128x32xf32, #tpu.memory_space<hbm>>
    %dma_wait3A_215 = tpu.memref_slice %arg8[%dma_wait3A_208] : memref<8x!tpu.dma_semaphore, #tpu.memory_space<semaphore_mem>> -> memref<1x!tpu.dma_semaphore, #tpu.memory_space<semaphore_mem>>
    %dma_wait3A_216 = tpu.memref_squeeze %dma_wait3A_215 : memref<1x!tpu.dma_semaphore, #tpu.memory_space<semaphore_mem>> -> memref<!tpu.dma_semaphore, #tpu.memory_space<semaphore_mem>>
    %dma_wait3A_217 = arith.constant 0 : i32
    %dma_wait3A_218 = tpu.memref_slice %arg4[%mul3A_4, %dma_wait3A_217] : memref<819200x32xf32, #tpu.memory_space<hbm>> -> memref<128x32xf32, #tpu.memory_space<hbm>>
    %dma_wait3A_219 = arith.constant 0 : i32
    %dma_wait3A_220 = arith.constant 0 : i32
    %dma_wait3A_221 = tpu.memref_slice %arg6[%dma_wait3A_207, %dma_wait3A_219, %dma_wait3A_220] : memref<8x128x32xf32, #tpu.memory_space<vmem>> -> memref<1x128x32xf32, #tpu.memory_space<vmem>>
    %dma_wait3A_222 = tpu.memref_squeeze %dma_wait3A_221 : memref<1x128x32xf32, #tpu.memory_space<vmem>> -> memref<128x32xf32, #tpu.memory_space<vmem>>
    tpu.wait_dma2 semaphore(%dma_wait3A_216 : memref<!tpu.dma_semaphore, #tpu.memory_space<semaphore_mem>>) src(%dma_wait3A_222 : memref<128x32xf32, #tpu.memory_space<vmem>>) dst(%dma_wait3A_218 : memref<128x32xf32, #tpu.memory_space<hbm>>)
    %dma_wait3A_223 = arith.constant 6 : i32
    %dma_wait3A_224 = arith.constant 6 : i32
    %dma_wait3A_225 = arith.constant 0 : i32
    %dma_wait3A_226 = arith.constant 0 : i32
    %dma_wait3A_227 = tpu.memref_slice %arg6[%dma_wait3A_223, %dma_wait3A_225, %dma_wait3A_226] : memref<8x128x32xf32, #tpu.memory_space<vmem>> -> memref<1x128x32xf32, #tpu.memory_space<vmem>>
    %dma_wait3A_228 = tpu.memref_squeeze %dma_wait3A_227 : memref<1x128x32xf32, #tpu.memory_space<vmem>> -> memref<128x32xf32, #tpu.memory_space<vmem>>
    %dma_wait3A_229 = arith.constant 0 : i32
    %dma_wait3A_230 = tpu.memref_slice %arg4[%mul3A_4, %dma_wait3A_229] : memref<819200x32xf32, #tpu.memory_space<hbm>> -> memref<128x32xf32, #tpu.memory_space<hbm>>
    %dma_wait3A_231 = tpu.memref_slice %arg8[%dma_wait3A_224] : memref<8x!tpu.dma_semaphore, #tpu.memory_space<semaphore_mem>> -> memref<1x!tpu.dma_semaphore, #tpu.memory_space<semaphore_mem>>
    %dma_wait3A_232 = tpu.memref_squeeze %dma_wait3A_231 : memref<1x!tpu.dma_semaphore, #tpu.memory_space<semaphore_mem>> -> memref<!tpu.dma_semaphore, #tpu.memory_space<semaphore_mem>>
    %dma_wait3A_233 = arith.constant 0 : i32
    %dma_wait3A_234 = tpu.memref_slice %arg4[%mul3A_4, %dma_wait3A_233] : memref<819200x32xf32, #tpu.memory_space<hbm>> -> memref<128x32xf32, #tpu.memory_space<hbm>>
    %dma_wait3A_235 = arith.constant 0 : i32
    %dma_wait3A_236 = arith.constant 0 : i32
    %dma_wait3A_237 = tpu.memref_slice %arg6[%dma_wait3A_223, %dma_wait3A_235, %dma_wait3A_236] : memref<8x128x32xf32, #tpu.memory_space<vmem>> -> memref<1x128x32xf32, #tpu.memory_space<vmem>>
    %dma_wait3A_238 = tpu.memref_squeeze %dma_wait3A_237 : memref<1x128x32xf32, #tpu.memory_space<vmem>> -> memref<128x32xf32, #tpu.memory_space<vmem>>
    tpu.wait_dma2 semaphore(%dma_wait3A_232 : memref<!tpu.dma_semaphore, #tpu.memory_space<semaphore_mem>>) src(%dma_wait3A_238 : memref<128x32xf32, #tpu.memory_space<vmem>>) dst(%dma_wait3A_234 : memref<128x32xf32, #tpu.memory_space<hbm>>)
    %dma_wait3A_239 = arith.constant 7 : i32
    %dma_wait3A_240 = arith.constant 7 : i32
    %dma_wait3A_241 = arith.constant 0 : i32
    %dma_wait3A_242 = arith.constant 0 : i32
    %dma_wait3A_243 = tpu.memref_slice %arg6[%dma_wait3A_239, %dma_wait3A_241, %dma_wait3A_242] : memref<8x128x32xf32, #tpu.memory_space<vmem>> -> memref<1x128x32xf32, #tpu.memory_space<vmem>>
    %dma_wait3A_244 = tpu.memref_squeeze %dma_wait3A_243 : memref<1x128x32xf32, #tpu.memory_space<vmem>> -> memref<128x32xf32, #tpu.memory_space<vmem>>
    %dma_wait3A_245 = arith.constant 0 : i32
    %dma_wait3A_246 = tpu.memref_slice %arg4[%mul3A_4, %dma_wait3A_245] : memref<819200x32xf32, #tpu.memory_space<hbm>> -> memref<128x32xf32, #tpu.memory_space<hbm>>
    %dma_wait3A_247 = tpu.memref_slice %arg8[%dma_wait3A_240] : memref<8x!tpu.dma_semaphore, #tpu.memory_space<semaphore_mem>> -> memref<1x!tpu.dma_semaphore, #tpu.memory_space<semaphore_mem>>
    %dma_wait3A_248 = tpu.memref_squeeze %dma_wait3A_247 : memref<1x!tpu.dma_semaphore, #tpu.memory_space<semaphore_mem>> -> memref<!tpu.dma_semaphore, #tpu.memory_space<semaphore_mem>>
    %dma_wait3A_249 = arith.constant 0 : i32
    %dma_wait3A_250 = tpu.memref_slice %arg4[%mul3A_4, %dma_wait3A_249] : memref<819200x32xf32, #tpu.memory_space<hbm>> -> memref<128x32xf32, #tpu.memory_space<hbm>>
    %dma_wait3A_251 = arith.constant 0 : i32
    %dma_wait3A_252 = arith.constant 0 : i32
    %dma_wait3A_253 = tpu.memref_slice %arg6[%dma_wait3A_239, %dma_wait3A_251, %dma_wait3A_252] : memref<8x128x32xf32, #tpu.memory_space<vmem>> -> memref<1x128x32xf32, #tpu.memory_space<vmem>>
    %dma_wait3A_254 = tpu.memref_squeeze %dma_wait3A_253 : memref<1x128x32xf32, #tpu.memory_space<vmem>> -> memref<128x32xf32, #tpu.memory_space<vmem>>
    tpu.wait_dma2 semaphore(%dma_wait3A_248 : memref<!tpu.dma_semaphore, #tpu.memory_space<semaphore_mem>>) src(%dma_wait3A_254 : memref<128x32xf32, #tpu.memory_space<vmem>>) dst(%dma_wait3A_250 : memref<128x32xf32, #tpu.memory_space<hbm>>)
    return
  }
}

</mosaic_0001>

<sc_bundles>
// kernel: kernel.3.cloned.1.call-start
scs
__scs_entry_jumppad:
0x0: {  	(pc) =	sbr.rel $0x88, $3  }
0x1: {  	(tag) =	ssettag $0x0;
	lr =	simm.s32 $0x1  }
0x2: {  	[smem:$0x3F9F] =	sst lr;
	_ =	strace $0xD0000000  }
0x3: {  	_ = 	snop  }
0x4: {  	_ = 	snop  }
0x5: {  	_ = 	snop  }
0x6: {  	_ = 	snop  }
0x7: {  	_ = 	snop  }
__scs_overlays_trampoline_lowered:
0x8: {  	[smem:$0x3FAE] =	sst s0  }
0x9: {  	[smem:$0x3FAF] =	sst s1  }
0xa: {  	[smem:$0x3FB0] =	sst s2  }
0xb: {  	[smem:$0x3FB1] =	sst s3  }
0xc: {  	[smem:$0x3FB2] =	sst s4  }
0xd: {  	[smem:$0x3FB3] =	sst s5  }
0xe: {  	[smem:$0x3FB4] =	sst s6  }
0xf: {  	[smem:$0x3FB5] =	sst s7  }
0x10: {  	[smem:$0x3FB6] =	sst s8  }
0x11: {  	[smem:$0x3FB7] =	sst s9;
	s0 =	simm.s32 @!p0 $0x0  }
0x12: {  	s1 =	sld [smem:$0x3F9D];
	s0 =	simm.s32 @p0 $0x1  }
0x13: {  	[smem:$0x3FB8] =	sst s0;
	s0 =	simm.s32 @!p1 $0x0  }
0x14: {  	s2 =	sld [smem:$0x3F9C];
	s0 =	simm.s32 @p1 $0x1  }
0x15: {  	[smem:$0x3FB9] =	sst s0;
	s0 =	simm.s32 @!p2 $0x0  }
0x16: {  	s3 =	sld [smem:$0x3FDB];
	s0 =	simm.s32 @p2 $0x1  }
0x17: {  	s4 =	simm.s32 $0x1BF5;
	[smem:$0x3FBB] =	sst s0  }
0x18: {  	s0 =	sld [smem:$0x3F9E];
	_ =	swait.ge [sflag:s4], $0x0  }
0x19: {  	s7 =	sld [smem:$0x3F9F]  }
0x1a: {  	s8 =	sadd.s32 $0xFFFFE003, lr  }
0x1b: {  	s9 =	sadd.s32 $0xFFFFFEF7, lr;
	s5 =	simm.s32 $0xFFFFFFFF;
	p2 =	slt.u32 s8, $0xFFFFF086  }
0x1c: {  	p1 =	slt.u32 s9, $0xF7A;
	s5 =	simm.s32 @!p2 $0x0  }
0x1d: {  	s5 =	simm.s32 @p1 $0x1;
	p0 =	seq.s32 s7, s2  }
0x1e: {  	s7 =	smul.u32 @!p0 $0xF7A, s2;
	p2 =	seq.s32 @!p0 s5, $0x0  }
0x1f: {  	s9 =	smul.u32 $0xF7A, s1;
	s8 =	simm.s32 @!p0 $0x1BF5;
	p2 =	por !p2, p0  }
0x20: {  	[sflag:s8] =	ssyncset.s32 @!p0 $0xFFFFF086;
	s6 =	sadd.s32 @!p0 s3, s7;
	s7 =	simm.s32 @!p0 $0x108  }
0x21: {  	s3 =	sadd.s32 s3, s9;
	s6 =	sadd.s32 @!p0 $0x88, s6;
	s7 =	simm.s32 @p2 $0x1082  }
0x22: {  	[simem:s7], [sflag:s8] =	dma.local @!p0 [hbm:s6], $0xF7A  }
0x23: {  	s9 =	sor.u32 $0xD0000000, s2;
	s6 =	simm.s32 $0x108;
	_ =	swait.ge @!p0 [sflag:s8], $0x0  }
0x24: {  	s3 =	sadd.s32 $0x88, s3;
	s6 =	simm.s32 @!p1 $0x1082;
	[sflag:s4] =	ssyncset.s32 $0xFFFFF086  }
0x25: {  	[simem:s6], [sflag:s4] =	dma.local [hbm:s3], $0xF7A  }
0x26: {  	[smem:$0x3F9F] =	sst s1;
	(tag) =	ssettag s2;
	_ =	strace s9  }
0x27: {  	s1 =	sld [smem:$0x3FAF]  }
0x28: {  	s2 =	sld [smem:$0x3FB0]  }
0x29: {  	s4 =	sld [smem:$0x3FB2]  }
0x2a: {  	p0 =	seq.s32 s5, $0x0;
	s5 =	sld [smem:$0x3FB3]  }
0x2b: {  	s6 =	sld [smem:$0x3FB4]  }
0x2c: {  	s7 =	sld [smem:$0x3FB5]  }
0x2d: {  	s3 =	simm.s32 $0x108;
	s8 =	sld [smem:$0x3FB6]  }
0x2e: {  	s3 =	simm.s32 @!p0 $0x1082;
	s9 =	sld [smem:$0x3FB7]  }
0x2f: {  	lr =	sadd.s32 s0, s3;
	s0 =	sld [smem:$0x3FAE]  }
0x30: {  	s3 =	sld [smem:$0x3FB1]  }
0x31: {  	[smem:$0x3FBA] =	sst s10  }
0x32: {  	s10 =	sld [smem:$0x3FB8];
	_ =	sdelay $0x3  }
0x33: {  	p0 =	seq.s32 s10, $0x1;
	s10 =	sld [smem:$0x3FBA];
	_ =	sdelay $0x3  }
0x34: {  	[smem:$0x3FBA] =	sst s10  }
0x35: {  	s10 =	sld [smem:$0x3FB9];
	_ =	sdelay $0x3  }
0x36: {  	p1 =	seq.s32 s10, $0x1;
	s10 =	sld [smem:$0x3FBA];
	_ =	sdelay $0x3  }
0x37: {  	[smem:$0x3FBA] =	sst s10  }
0x38: {  	s10 =	sld [smem:$0x3FBB]  }
0x39: {  	_ = 	snop;
	(pc) =	sbr.ind lr, $3  }
0x3a: {  	_ = 	snop  }
0x3b: {  	_ = 	snop  }
0x3c: {  	p2 =	seq.s32 s10, $0x1;
	s10 =	sld [smem:$0x3FBA]  }
0x3d: {  	_ =	shalt  }
0x3e: {  	_ =	shalt  }
0x3f: {  	_ =	shalt  }
0x40: {  	_ =	shalt  }
0x41: {  	_ =	shalt  }
0x42: {  	_ =	shalt  }
0x43: {  	_ =	shalt  }
0x44: {  	_ =	shalt  }
0x45: {  	_ =	shalt  }
0x46: {  	_ =	shalt  }
0x47: {  	_ =	shalt  }
0x48: {  	_ =	shalt  }
0x49: {  	_ =	shalt  }
0x4a: {  	_ =	shalt  }
0x4b: {  	_ =	shalt  }
0x4c: {  	_ =	shalt  }
0x4d: {  	_ =	shalt  }
0x4e: {  	_ =	shalt  }
0x4f: {  	_ =	shalt  }
0x50: {  	_ =	shalt  }
0x51: {  	_ =	shalt  }
0x52: {  	_ =	shalt  }
0x53: {  	_ =	shalt  }
0x54: {  	_ =	shalt  }
0x55: {  	_ =	shalt  }
0x56: {  	_ =	shalt  }
0x57: {  	_ =	shalt  }
0x58: {  	_ =	shalt  }
0x59: {  	_ =	shalt  }
0x5a: {  	_ =	shalt  }
0x5b: {  	_ =	shalt  }
0x5c: {  	_ =	shalt  }
0x5d: {  	_ =	shalt  }
0x5e: {  	_ =	shalt  }
0x5f: {  	_ =	shalt  }
0x60: {  	_ =	shalt  }
0x61: {  	_ =	shalt  }
0x62: {  	_ =	shalt  }
0x63: {  	_ =	shalt  }
0x64: {  	_ =	shalt  }
0x65: {  	_ =	shalt  }
0x66: {  	_ =	shalt  }
0x67: {  	_ =	shalt  }
0x68: {  	_ =	shalt  }
0x69: {  	_ =	shalt  }
0x6a: {  	_ =	shalt  }
0x6b: {  	_ =	shalt  }
0x6c: {  	_ =	shalt  }
0x6d: {  	_ =	shalt  }
0x6e: {  	_ =	shalt  }
0x6f: {  	_ =	shalt  }
0x70: {  	_ =	shalt  }
0x71: {  	_ =	shalt  }
0x72: {  	_ =	shalt  }
0x73: {  	_ =	shalt  }
0x74: {  	_ =	shalt  }
0x75: {  	_ =	shalt  }
0x76: {  	_ =	shalt  }
0x77: {  	_ =	shalt  }
0x78: {  	_ =	shalt  }
0x79: {  	_ =	shalt  }
0x7a: {  	_ =	shalt  }
0x7b: {  	_ =	shalt  }
0x7c: {  	_ =	shalt  }
0x7d: {  	_ =	shalt  }
0x7e: {  	_ =	shalt  }
0x7f: {  	_ =	shalt  }
0x80: {  	_ =	shalt  }
0x81: {  	_ =	shalt  }
0x82: {  	_ =	shalt  }
0x83: {  	_ =	shalt  }
0x84: {  	_ =	shalt  }
0x85: {  	_ =	shalt  }
0x86: {  	_ =	shalt  }
0x87: {  	_ =	shalt  }
.Lfunc_end0:
.L_simem_size_0:
called_computation.1_lowered:
.L_overlay_start_0:
0x88: {  	s2 =	sld [smem:$0x3FD9]  }
0x89: {  	s3 =	sld [smem:$0x3FFE];
	_ =	sdelay $0x1  }
0x8a: {  	s1 =	srdreg.scid  }
0x8b: {  	s0 =	sand.u32 $0x1, s1  }
0x8c: {  	s17 =	sshll.u32 s0, $0xA;
	s2 =	sadd.s32 s3, s2  }
0x8d: {  	s2 =	sadd.s32 s2, s17  }
0x8e: {  	[smem:$0x3FC6] =	sst s2  }
0x8f: {  	_ = 	snop  }
0x90: {  	s2 =	sld [smem:$0x3FD0];
	(tm) =	ssettm $0x1  }
0x91: {  	s18 =	sld [smem:$0x3FFB];
	_ =	sdelay $0x3  }
0x92: {  	_ =	strace s18  }
0x93: {  	s3 =	sld [smem:$0x3FFC];
	_ =	sdelay $0x3  }
0x94: {  	_ =	strace s3  }
0x95: {  	s3 =	sld [smem:$0x3FFD];
	_ =	sdelay $0x3  }
0x96: {  	_ =	strace s3  }
0x97: {  	_ =	strace $0x8FFFFFFF  }
0x98: {  	s19 =	sld [smem:$0x3FDB];
	_ =	sdelay $0x1  }
0x99: {  	s4 =	simm.s32 $_scs_section_size  }
0x9a: {  	s5 =	simm.s32 $_size__tile_overlayer_lowered;
	s6 =	simm.s32 $_tile_overlayer_lowered  }
0x9b: {  	s22 =	simm.s32 $0x1BFF;
	s21 =	sshll.u32 s6, $0x1;
	s3 =	sadd.s32 s4, s19  }
0x9c: {  	s7 =	simm.s32 $0x0;
	s20 =	sshll.u32 s5, $0x1;
	s5 =	sadd.s32 s21, s3  }
0x9d: {  	[timem:s7], [sflag:s22] =	dma.local [hbm:s5], s20  }
0x9e: {  	_ =	swait.ge [sflag:s22], s20  }
0x9f: {  	s4 =	ssub.s32 $0x0, s20;
	[sflag:s22] =	ssyncset.done $0x0  }
0xa0: {  	[sflag:s22] =	ssyncadd.s32 s4;
	_ =	sdelay $0x1  }
0xa1: {  	s23 =	simm.s32 $0x1B8B  }
0xa2: {  	_ =	swait.ge [sflag:s23], $0x1  }
0xa3: {  	[sflag:s23] =	ssyncset.done $0x0  }
0xa4: {  	s25 =	simm.s32 $0x1B8E;
	s24 =	sld [smem:$0x3FFE];
	[sflag:s23] =	ssyncadd.s32 $0xFFFFFFFF  }
0xa5: {  	s26 =	simm.s32 $execute0_lowered;
	[smem:$0x3FD2] =	sst s25  }
0xa6: {  	s5 =	sshll.u32 s26, $0x1;
	_ =	strace $0x80000046;
	[dreg:$0x1] =	wrdreg $0xFFFFFFFF  }
0xa7: {  	s28 =	simm.s32 $_size_execute0_lowered;
	s3 =	sadd.s32 s3, s5;
	[dreg:$0x0] =	wrdreg $0x0  }
0xa8: {  	s5 =	sshll.u32 s28, $0x1;
	[dreg:$0x2] =	wrdreg s3  }
0xa9: {  	[dreg:$0x3] =	wrdreg s5  }
0xaa: {  	[dreg:$0x4] =	wrdreg $0xC0  }
0xab: {  	_ =	task [dreg:s7], $0x5FFFF  }
0xac: {  	[dreg:$0x1] =	wrdreg $0xFFFFFFFF  }
0xad: {  	[dreg:$0x0] =	wrdreg $0x60  }
0xae: {  	[dreg:$0x2] =	wrdreg s24  }
0xaf: {  	[dreg:$0x3] =	wrdreg s2  }
0xb0: {  	[dreg:$0x4] =	wrdreg $0x9  }
0xb1: {  	_ =	task.clear_ibuf [dreg:s7], $0x5FFFF;
	_ =	strace $0x90000046  }
0xb2: {  	s29 =	simm.s32 $0x9;
	_ =	strace $0x80000048  }
0xb3: {  	_ =	swait.ge [sflag:s29], $0x1  }
0xb4: {  	[sflag:s29] =	ssyncadd.s32 $0xFFFFFFFF  }
0xb5: {  	_ =	strace $0x90000048  }
0xb6: {  	_ =	sfence  }
0xb7: {  	s30 =	sld [smem:$0x0];
	_ =	sdelay $0x2  }
0xb8: {  	s31 =	sshll.u32 s1, $0xD;
	s1 =	sshrl.u32 s1, $0x2  }
0xb9: {  	s3 =	sand.u32 $0x4000, s31;
	s1 =	sadd.s32 s1, s30  }
0xba: {  	s0 =	sor.u32 s3, s0;
	s1 =	sshll.u32 s1, $0x11  }
0xbb: {  	s0 =	sor.u32 s1, s0  }
0xbc: {  	s0 =	sadd.s32 $0x8F2B, s0  }
0xbd: {  	[sflag:s0] =	ssyncadd.remote.s32 $0x1  }
0xbe: {  	_ =	sfence.sel $0xFFFF  }
0xbf: {  	[dreg:$0x0] =	wrdreg $0xFFFFFFFF;
	(pc) =	sbr.abs _section_cstart, $3  }
0xc0: {  	[dreg:$0x1] =	wrdreg $0xFFFFFFFF  }
0xc1: {  	_ =	task.clear_ibuf [dreg:s7], $0x2FFFF;
	_ =	strace $0x9FFFFFFF  }
0xc2: {  	(tm) =	ssettm $0x7FFFFFFF  }
0xc3: {  	_ =	shalt  }
tec
execute0_lowered:
.L_overlay_start_1:
0x0: {  	(tag) =	ssettag $0x1  }
0x1: {  	s0 =	srdreg.scid;
	s1 =	rddreg [dreg:$0x0]  }
0x2: {  	s8 =	stileid.u32;
	s4 =	rddreg [dreg:$0x1]  }
0x3: {  	s18 =	simm.s32 $0x80;
	s0 =	sand.u32 $0x1, s0;
	s2 =	sshll.u32 s8, $0x1  }
0x4: {  	s29 =	simm.s32 $0xB400;
	s8 =	smul.u32 $0x190000, s8;
	s3 =	sor.u32 s0, s2  }
0x5: {  	s2 =	simm.s32 $0x0;
	s7 =	ssub.s32 $0x2, s0;
	s0 =	smul.u32 $0xC8000, s0  }
0x6: {  	s28 =	simm.s32 $0xF;
	s5 =	smul.u32 $0xC80, s3;
	[smem:$0x7FF] =	sst s2  }
0x7: {  	s6 =	smul.u32 $0xC8000, s3;
	s9 =	sshrl.u32 s7, $0x1;
	s3 =	sadd.s32 $0x19A00, s1  }
0x8: {  	_ =	strace $0x80000047;
	s20 =	ssub.s32 s7, s9;
	s0 =	sadd.s32 s0, s8  }
0x9: {  	s5 =	sadd.s32 s5, s1;
	s6 =	sshrl.u32 s6, $0x3;
	s1 =	smax.u32 s20, $0x1  }
0xa: {  	s22 =	sor.u32 $0x6000, s0;
	s10 =	sor.u32 $0x5000, s0;
	s24 =	sor.u32 $0x4000, s0  }
0xb: {  	s25 =	sor.u32 $0x3000, s0;
	s13 =	sor.u32 $0x2000, s0;
	s30 =	sor.u32 $0x1000, s0  }
0xc: {  	s31 =	sor.u32 $0x7000, s0;
	s0 =	sshrl.u32 s0, $0x3;
	s5 =	sadd.s32 $0xA00, s5  }
0xd: {  	s21 =	sadd.s32 s4, s6;
	[dreg:$0x4] =	wrdreg s1;
	s1 =	sshrl.u32 s22, $0x3  }
0xe: {  	s23 =	sshrl.u32 s10, $0x3;
	s26 =	sshrl.u32 s13, $0x3;
	s15 =	sadd.s32 s0, s4  }
0xf: {  	s0 =	simm.s32 $0xD400;
	s22 =	simm.s32 $0x2;
	[dreg:$0x3] =	wrdreg s5  }
0x10: {  	s6 =	sadd.s32 $0x18400, s21;
	s7 =	sadd.s32 $0x18800, s21;
	s8 =	sadd.s32 $0x18C00, s21  }
0x11: {  	s9 =	sadd.s32 s1, s4;
	s10 =	sadd.s32 s23, s4;
	s1 =	sshrl.u32 s24, $0x3  }
.Ltmp0:
0x12: {  	s5 =	sshrl.u32 s25, $0x3;
	s13 =	sadd.s32 s26, s4;
	(pc) =	sbr.rel .LBB2_1-.Ltmp0, $4  }
0x13: {  	s24 =	simm.s32 $0x9400;
	s21 =	simm.s32 $0x1;
	s23 =	simm.s32 $0x4  }
0x14: {  	s25 =	simm.s32 $0x6;
	s26 =	simm.s32 $0x8;
	s11 =	sadd.s32 s1, s4  }
0x15: {  	s12 =	sadd.s32 s5, s4;
	s1 =	sshrl.u32 s30, $0x3;
	s5 =	sshrl.u32 s31, $0x3  }
0x16: {  	s14 =	sadd.s32 s1, s4;
	s16 =	sadd.s32 s5, s4;
	s5 =	simm.s32 $0x0  }
.LBB2_4:
0x17: {  	s1 =	simm.s32 $0x9  }
0x18: {  	_ =	swait.ge [sflag:s1], $0x1000  }
0x19: {  	[sflag:s1] =	ssyncset.done $0x0  }
0x1a: {  	s5 =	simm.s32 $0xA;
	[sflag:s1] =	ssyncadd.s32 $0xFFFFF000  }
0x1b: {  	_ =	swait.ge [sflag:s5], $0x1000  }
0x1c: {  	[sflag:s5] =	ssyncset.done $0x0  }
0x1d: {  	s17 =	simm.s32 $0xB;
	[sflag:s5] =	ssyncadd.s32 $0xFFFFF000  }
0x1e: {  	_ =	swait.ge [sflag:s17], $0x1000  }
0x1f: {  	[sflag:s17] =	ssyncset.done $0x0  }
0x20: {  	s19 =	simm.s32 $0xC;
	[sflag:s17] =	ssyncadd.s32 $0xFFFFF000  }
0x21: {  	_ =	swait.ge [sflag:s19], $0x1000  }
0x22: {  	[sflag:s19] =	ssyncset.done $0x0  }
0x23: {  	s20 =	simm.s32 $0xD;
	[sflag:s19] =	ssyncadd.s32 $0xFFFFF000  }
0x24: {  	_ =	swait.ge [sflag:s20], $0x1000  }
0x25: {  	[sflag:s20] =	ssyncset.done $0x0  }
0x26: {  	s30 =	simm.s32 $0xE;
	[sflag:s20] =	ssyncadd.s32 $0xFFFFF000  }
0x27: {  	_ =	swait.ge [sflag:s30], $0x1000  }
0x28: {  	[sflag:s30] =	ssyncset.done $0x0  }
0x29: {  	[sflag:s30] =	ssyncadd.s32 $0xFFFFF000  }
0x2a: {  	_ =	swait.ge [sflag:s28], $0x1000  }
0x2b: {  	[sflag:s28] =	ssyncset.done $0x0  }
0x2c: {  	s4 =	simm.s32 $0x10;
	[sflag:s28] =	ssyncadd.s32 $0xFFFFF000  }
0x2d: {  	_ =	swait.ge [sflag:s4], $0x1000  }
0x2e: {  	s5 =	rddreg [dreg:$0x5]  }
0x2f: {  	s31 =	rddreg [dreg:$0x4];
	s5 =	sadd.s32 $0x1, s5  }
0x30: {  	p0 =	sne.s32 s5, s31  }
.Ltmp1:
0x31: {  	_ = 	snop;
	(pc) =	sbr.rel @!p0 .LBB2_5-.Ltmp1, $3  }
0x32: {  	_ =	sdelay $0x1  }
0x33: {  	[sflag:s4] =	ssyncset.done $0x0  }
0x34: {  	[sflag:s4] =	ssyncadd.s32 $0xFFFFF000  }
.LBB2_1:
0x35: {  	[dreg:$0x5] =	wrdreg s5  }
0x36: {  	s1 =	rddreg [dreg:$0x3];
	s19 =	simm.s32 $0x11  }
0x37: {  	[tilespmem:s2], [sflag:$0x11] =	stream.linear.gather [hbm4b:s1+s2], $0x6400, $0x38;
	[tilespmem:$0xE400] =	vst v63  }
0x38: {  	_ =	swait.ge [sflag:s19], $0x6400  }
0x39: {  	[sflag:s19] =	ssyncset.done $0x0  }
0x3a: {  	s20 =	simm.s32 $0x6400;
	[sflag:s19] =	ssyncadd.s32 $0xFFFF9C00  }
0x3b: {  	[tilespmem:s20], [sflag:$0x1] =	stream.indirect.gather [hbm4b:s3+s18], $0x20, s2, s18, $0xb8;
	[tilespmem:$0xE400] =	vst v63  }
0x3c: {  	s30 =	simm.s32 $0x7400  }
0x3d: {  	[tilespmem:s30], [sflag:$0x2] =	stream.indirect.gather [hbm4b:s3+s18], $0x20, s18, s18, $0xb8;
	[tilespmem:$0xE400] =	vst v63  }
0x3e: {  	s31 =	simm.s32 $0x100;
	s4 =	simm.s32 $0x8400  }
0x3f: {  	[tilespmem:s4], [sflag:$0x3] =	stream.indirect.gather [hbm4b:s3+s18], $0x20, s31, s18, $0xb8;
	[tilespmem:$0xE400] =	vst v63  }
0x40: {  	s4 =	simm.s32 $0x180  }
0x41: {  	[tilespmem:s24], [sflag:$0x4] =	stream.indirect.gather [hbm4b:s3+s18], $0x20, s4, s18, $0xb8;
	[tilespmem:$0xE400] =	vst v63  }
0x42: {  	s5 =	simm.s32 $0x200;
	s17 =	simm.s32 $0xA400  }
0x43: {  	[tilespmem:s17], [sflag:$0x5] =	stream.indirect.gather [hbm4b:s3+s18], $0x20, s5, s18, $0xb8;
	[tilespmem:$0xE400] =	vst v63  }
0x44: {  	s19 =	simm.s32 $0x280  }
0x45: {  	[tilespmem:s29], [sflag:$0x6] =	stream.indirect.gather [hbm4b:s3+s18], $0x20, s19, s18, $0xb8;
	[tilespmem:$0xE400] =	vst v63  }
0x46: {  	s20 =	simm.s32 $0x300;
	s30 =	simm.s32 $0xC400  }
0x47: {  	[tilespmem:s30], [sflag:$0x7] =	stream.indirect.gather [hbm4b:s3+s18], $0x20, s20, s18, $0xb8;
	[tilespmem:$0xE400] =	vst v63  }
0x48: {  	s31 =	simm.s32 $0x380;
	s4 =	simm.s32 $0x0  }
0x49: {  	[tilespmem:s0], [sflag:$0x8] =	stream.indirect.gather [hbm4b:s3+s18], $0x20, s31, s18, $0xb8;
	[tilespmem:$0xE400] =	vst v63  }
.LBB2_2:
0x4a: {  	_ =	swait.ge [sflag:s21], $0x1000  }
0x4b: {  	s1 =	sadd.s32 s4, s15;
	[sflag:s21] =	ssyncset.done $0x0  }
0x4c: {  	s5 =	simm.s32 $0x6400;
	p0 =	seq.s32 s4, $0x0;
	[sflag:s21] =	ssyncadd.s32 $0xFFFFF000  }
0x4d: {  	[hbm4b:s1+s2] =	stream.linear.scatter [tilespmem:s5], [sflag:$0x9], $0x1000, $0x38;
	[tilespmem:$0xE400] =	vst v63  }
0x4e: {  	s1 =	simm.s32 @!p0 $0x10  }
0x4f: {  	_ =	swait.ge @!p0 [sflag:s1], $0x1000  }
0x50: {  	[sflag:s1] =	ssyncset.done @!p0 $0x0  }
0x51: {  	[sflag:s1] =	ssyncadd.s32 @!p0 $0xFFFFF000;
	s1 =	sshra.s32 @!p0 s4, $0x2  }
0x52: {  	s17 =	simm.s32 @!p0 $0xD400;
	s5 =	simm.s32 @!p0 $0x80;
	s1 =	sadd.s32 @!p0 $0x380, s1  }
0x53: {  	[tilespmem:s17], [sflag:$0x8] =	stream.indirect.gather @!p0 [hbm4b:s3+s5], $0x20, s1, s5, $0xb8;
	[tilespmem:$0xE400] =	vst v63  }
0x54: {  	_ =	swait.ge [sflag:s22], $0x1000  }
0x55: {  	s20 =	sadd.s32 s4, s14;
	p0 =	seq.s32 s4, $0x18000;
	[sflag:s22] =	ssyncset.done $0x0  }
0x56: {  	s30 =	simm.s32 $0x7400;
	s1 =	simm.s32 @p0 $0x3;
	[sflag:s22] =	ssyncadd.s32 $0xFFFFF000  }
0x57: {  	[hbm4b:s20+s2] =	stream.linear.scatter [tilespmem:s30], [sflag:$0xA], $0x1000, $0x38;
	[tilespmem:$0xE400] =	vst v63  }
0x58: {  	_ =	swait.ge @p0 [sflag:s1], $0x1000  }
0x59: {  	[sflag:s1] =	ssyncset.done @p0 $0x0  }
0x5a: {  	s30 =	simm.s32 @p0 $0x0;
	[sflag:s1] =	ssyncadd.s32 @p0 $0xFFFFF000;
	s1 =	simm.s32 @p0 $0x8400  }
0x5b: {  	[hbm4b:s6+s30] =	stream.linear.scatter @p0 [tilespmem:s1], [sflag:$0xB], $0x1000, $0x38;
	[tilespmem:$0xE400] =	vst v63  }
0x5c: {  	s1 =	simm.s32 @!p0 $0x9  }
0x5d: {  	_ =	swait.ge @!p0 [sflag:s1], $0x1000  }
0x5e: {  	s5 =	sshra.s32 @!p0 s4, $0x2;
	s17 =	simm.s32 @!p0 $0x80;
	[sflag:s1] =	ssyncset.done @!p0 $0x0  }
0x5f: {  	s19 =	simm.s32 @!p0 $0x6400;
	[sflag:s1] =	ssyncadd.s32 @!p0 $0xFFFFF000;
	s1 =	sadd.s32 @!p0 $0x400, s5  }
0x60: {  	[tilespmem:s19], [sflag:$0x1] =	stream.indirect.gather @!p0 [hbm4b:s3+s17], $0x20, s1, s17, $0xb8;
	[tilespmem:$0xE400] =	vst v63  }
0x61: {  	s1 =	simm.s32 @!p0 $0x3  }
0x62: {  	_ =	swait.ge @!p0 [sflag:s1], $0x1000  }
0x63: {  	s20 =	simm.s32 @!p0 $0x8400;
	[sflag:s1] =	ssyncset.done @!p0 $0x0  }
0x64: {  	s19 =	sadd.s32 @!p0 s4, s13;
	[sflag:s1] =	ssyncadd.s32 @!p0 $0xFFFFF000;
	s1 =	simm.s32 @!p0 $0x0  }
0x65: {  	[hbm4b:s19+s1] =	stream.linear.scatter @!p0 [tilespmem:s20], [sflag:$0xB], $0x1000, $0x38;
	[tilespmem:$0xE400] =	vst v63  }
0x66: {  	s19 =	simm.s32 @!p0 $0xA  }
0x67: {  	_ =	swait.ge @!p0 [sflag:s19], $0x1000  }
0x68: {  	[sflag:s19] =	ssyncset.done @!p0 $0x0  }
0x69: {  	s31 =	simm.s32 @!p0 $0x7400;
	[sflag:s19] =	ssyncadd.s32 @!p0 $0xFFFFF000;
	s19 =	sadd.s32 @!p0 $0x480, s5  }
0x6a: {  	[tilespmem:s31], [sflag:$0x2] =	stream.indirect.gather @!p0 [hbm4b:s3+s17], $0x20, s19, s17, $0xb8;
	[tilespmem:$0xE400] =	vst v63  }
0x6b: {  	_ =	swait.ge [sflag:s23], $0x1000  }
0x6c: {  	[sflag:s23] =	ssyncset.done $0x0  }
0x6d: {  	s31 =	sadd.s32 s4, s12;
	s19 =	simm.s32 @p0 $0x5;
	[sflag:s23] =	ssyncadd.s32 $0xFFFFF000  }
0x6e: {  	[hbm4b:s31+s2] =	stream.linear.scatter [tilespmem:s24], [sflag:$0xC], $0x1000, $0x38;
	[tilespmem:$0xE400] =	vst v63  }
0x6f: {  	_ =	swait.ge @p0 [sflag:s19], $0x1000  }
0x70: {  	[sflag:s19] =	ssyncset.done @p0 $0x0  }
0x71: {  	[sflag:s19] =	ssyncadd.s32 @p0 $0xFFFFF000;
	s19 =	simm.s32 @p0 $0xA400  }
0x72: {  	[hbm4b:s7+s30] =	stream.linear.scatter @p0 [tilespmem:s19], [sflag:$0xD], $0x1000, $0x38;
	[tilespmem:$0xE400] =	vst v63  }
0x73: {  	s19 =	simm.s32 @!p0 $0xB  }
0x74: {  	_ =	swait.ge @!p0 [sflag:s19], $0x1000  }
0x75: {  	[sflag:s19] =	ssyncset.done @!p0 $0x0  }
0x76: {  	[sflag:s19] =	ssyncadd.s32 @!p0 $0xFFFFF000;
	s19 =	sadd.s32 @!p0 $0x500, s5  }
0x77: {  	[tilespmem:s20], [sflag:$0x3] =	stream.indirect.gather @!p0 [hbm4b:s3+s17], $0x20, s19, s17, $0xb8;
	[tilespmem:$0xE400] =	vst v63  }
0x78: {  	s19 =	simm.s32 @!p0 $0x5  }
0x79: {  	_ =	swait.ge @!p0 [sflag:s19], $0x1000  }
0x7a: {  	[sflag:s19] =	ssyncset.done @!p0 $0x0  }
0x7b: {  	s20 =	simm.s32 @!p0 $0xA400;
	[sflag:s19] =	ssyncadd.s32 @!p0 $0xFFFFF000;
	s19 =	sadd.s32 @!p0 s4, s11  }
0x7c: {  	[hbm4b:s19+s1] =	stream.linear.scatter @!p0 [tilespmem:s20], [sflag:$0xD], $0x1000, $0x38;
	[tilespmem:$0xE400] =	vst v63  }
0x7d: {  	s19 =	simm.s32 @!p0 $0xC  }
0x7e: {  	_ =	swait.ge @!p0 [sflag:s19], $0x1000  }
0x7f: {  	[sflag:s19] =	ssyncset.done @!p0 $0x0  }
0x80: {  	s31 =	simm.s32 @!p0 $0x9400;
	[sflag:s19] =	ssyncadd.s32 @!p0 $0xFFFFF000;
	s19 =	sadd.s32 @!p0 $0x580, s5  }
0x81: {  	[tilespmem:s31], [sflag:$0x4] =	stream.indirect.gather @!p0 [hbm4b:s3+s17], $0x20, s19, s17, $0xb8;
	[tilespmem:$0xE400] =	vst v63  }
0x82: {  	_ =	swait.ge [sflag:s25], $0x1000  }
0x83: {  	[sflag:s25] =	ssyncset.done $0x0  }
0x84: {  	s31 =	sadd.s32 s4, s10;
	s19 =	simm.s32 @p0 $0x7;
	[sflag:s25] =	ssyncadd.s32 $0xFFFFF000  }
0x85: {  	[hbm4b:s31+s2] =	stream.linear.scatter [tilespmem:s29], [sflag:$0xE], $0x1000, $0x38;
	[tilespmem:$0xE400] =	vst v63  }
0x86: {  	_ =	swait.ge @p0 [sflag:s19], $0x1000  }
0x87: {  	[sflag:s19] =	ssyncset.done @p0 $0x0  }
0x88: {  	[sflag:s19] =	ssyncadd.s32 @p0 $0xFFFFF000;
	s19 =	simm.s32 @p0 $0xC400  }
0x89: {  	[hbm4b:s8+s30] =	stream.linear.scatter @p0 [tilespmem:s19], [sflag:$0xF], $0x1000, $0x38;
	[tilespmem:$0xE400] =	vst v63  }
0x8a: {  	s19 =	simm.s32 @!p0 $0xD  }
0x8b: {  	_ =	swait.ge @!p0 [sflag:s19], $0x1000  }
0x8c: {  	[sflag:s19] =	ssyncset.done @!p0 $0x0  }
0x8d: {  	[sflag:s19] =	ssyncadd.s32 @!p0 $0xFFFFF000;
	s19 =	sadd.s32 @!p0 $0x600, s5  }
0x8e: {  	[tilespmem:s20], [sflag:$0x5] =	stream.indirect.gather @!p0 [hbm4b:s3+s17], $0x20, s19, s17, $0xb8;
	[tilespmem:$0xE400] =	vst v63  }
0x8f: {  	s19 =	simm.s32 @!p0 $0x7  }
0x90: {  	_ =	swait.ge @!p0 [sflag:s19], $0x1000  }
0x91: {  	[sflag:s19] =	ssyncset.done @!p0 $0x0  }
0x92: {  	s20 =	simm.s32 @!p0 $0xC400;
	[sflag:s19] =	ssyncadd.s32 @!p0 $0xFFFFF000;
	s19 =	sadd.s32 @!p0 s4, s9  }
0x93: {  	[hbm4b:s19+s1] =	stream.linear.scatter @!p0 [tilespmem:s20], [sflag:$0xF], $0x1000, $0x38;
	[tilespmem:$0xE400] =	vst v63  }
0x94: {  	s1 =	simm.s32 @!p0 $0xE  }
0x95: {  	_ =	swait.ge @!p0 [sflag:s1], $0x1000  }
0x96: {  	[sflag:s1] =	ssyncset.done @!p0 $0x0  }
0x97: {  	[sflag:s1] =	ssyncadd.s32 @!p0 $0xFFFFF000;
	s1 =	sadd.s32 @!p0 $0x680, s5;
	s5 =	simm.s32 @!p0 $0xB400  }
0x98: {  	[tilespmem:s5], [sflag:$0x6] =	stream.indirect.gather @!p0 [hbm4b:s3+s17], $0x20, s1, s17, $0xb8;
	[tilespmem:$0xE400] =	vst v63  }
.Ltmp2:
0x99: {  	_ = 	snop;
	(pc) =	sbr.rel @p0 .LBB2_4-.Ltmp2, $4  }
0x9a: {  	_ =	swait.ge [sflag:s26], $0x1000  }
0x9b: {  	[sflag:s26] =	ssyncset.done $0x0  }
0x9c: {  	s31 =	sadd.s32 s4, s16;
	[sflag:s26] =	ssyncadd.s32 $0xFFFFF000  }
0x9d: {  	[hbm4b:s31+s2] =	stream.linear.scatter [tilespmem:s0], [sflag:$0x10], $0x1000, $0x38;
	[tilespmem:$0xE400] =	vst v63  }
.Ltmp3:
0x9e: {  	(pc) =	sbr.rel .LBB2_2-.Ltmp3, $4  }
0x9f: {  	_ =	swait.ge [sflag:s28], $0x1000  }
0xa0: {  	s1 =	sshra.s32 s4, $0x2;
	s5 =	simm.s32 $0xC400;
	[sflag:s28] =	ssyncset.done $0x0  }
0xa1: {  	s4 =	sadd.s32 $0x1000, s4;
	s1 =	sadd.s32 $0x700, s1;
	[sflag:s28] =	ssyncadd.s32 $0xFFFFF000  }
0xa2: {  	[tilespmem:s5], [sflag:$0x7] =	stream.indirect.gather [hbm4b:s3+s18], $0x20, s1, s18, $0xb8;
	[tilespmem:$0xE400] =	vst v63  }
.LBB2_5:
0xa3: {  	_ =	sfence.sel $0x180000  }
0xa4: {  	[bflag:$0x0] =	sbarrier.arrive $0xFFFF  }
0xa5: {  	_ =	strace $0x90000047  }
0xa6: {  	s0 =	stileid.u32;
	[bflag:$0x2] =	sbarrier.arrive $0xFFFF  }
0xa7: {  	p0 =	sne.s32 s0, $0x0;
	s0 =	rddreg [dreg:$0x2]  }
0xa8: {  	s0 =	sadd.s32 @!p0 $0x100000, s0  }
0xa9: {  	[sflag:s0] =	ssyncadd.tile.s32 @!p0 $0x1;
	_ =	shalt  }
.Lfunc_end2:
_tile_overlayer_lowered:
.L_overlay_start_2:
0xaa: {  	(tag) =	ssettag $0x2  }
0xab: {  	s0 =	rddreg [dreg:$0x0];
	s2 =	stileid.u32  }
0xac: {  	s1 =	rddreg [dreg:$0x1];
	p0 =	sne.s32 s2, $0x0  }
0xad: {  	s3 =	rddreg [dreg:$0x2];
	[bflag:$0x3] =	sbarrier.arrive $0xFFFF;
	s2 =	simm.s32 @!p0 $0x1C11  }
0xae: {  	[timem:s3], [sflag:s2] =	dma.local @!p0 [hbm:s0], s1  }
0xaf: {  	s0 =	simm.s32 @!p0 $0x11  }
0xb0: {  	_ =	swait.ge @!p0 [sflag:s0], s1  }
0xb1: {  	s1 =	ssub.s32 @!p0 $0x0, s1;
	[sflag:s0] =	ssyncset.done @!p0 $0x0  }
0xb2: {  	[sflag:s0] =	ssyncadd.s32 @!p0 s1  }
0xb3: {  	[bflag:$0x3] =	sbarrier.arrive $0xFFFF  }
0xb4: {  	_ =	shalt  }

// kernel: sparse-core-data-format-call.cloned.1.call-start
scs
called_computation_lowered:
.L_overlay_start_0:
0x0: {  	s2 =	sld [smem:$0x3FD9]  }
0x1: {  	s3 =	sld [smem:$0x3FFE];
	_ =	sdelay $0x1  }
0x2: {  	s1 =	srdreg.scid  }
0x3: {  	s0 =	sand.u32 $0x1, s1  }
0x4: {  	s18 =	sshll.u32 s0, $0xA;
	s2 =	sadd.s32 s3, s2  }
0x5: {  	s2 =	sadd.s32 s2, s18  }
0x6: {  	[smem:$0x3FC6] =	sst s2  }
0x7: {  	_ = 	snop  }
0x8: {  	s2 =	sld [smem:$0x3FD0];
	(tm) =	ssettm $0x1  }
0x9: {  	s19 =	sld [smem:$0x3FFB];
	_ =	sdelay $0x3  }
0xa: {  	_ =	strace s19  }
0xb: {  	s3 =	sld [smem:$0x3FFC];
	_ =	sdelay $0x3  }
0xc: {  	_ =	strace s3  }
0xd: {  	s3 =	sld [smem:$0x3FFD];
	_ =	sdelay $0x3  }
0xe: {  	_ =	strace s3  }
0xf: {  	_ =	strace $0x8FFFFFFF  }
0x10: {  	s20 =	sld [smem:$0x3FDB];
	_ =	sdelay $0x1  }
0x11: {  	s4 =	simm.s32 $_scs_section_size  }
0x12: {  	s5 =	simm.s32 $_size__tile_overlayer_lowered;
	s6 =	simm.s32 $_tile_overlayer_lowered  }
0x13: {  	s23 =	simm.s32 $0x1BFF;
	s22 =	sshll.u32 s6, $0x1;
	s3 =	sadd.s32 s4, s20  }
0x14: {  	s7 =	simm.s32 $0x0;
	s21 =	sshll.u32 s5, $0x1;
	s5 =	sadd.s32 s22, s3  }
0x15: {  	[timem:s7], [sflag:s23] =	dma.local [hbm:s5], s21  }
0x16: {  	_ =	swait.ge [sflag:s23], s21  }
0x17: {  	s4 =	ssub.s32 $0x0, s21;
	[sflag:s23] =	ssyncset.done $0x0  }
0x18: {  	[sflag:s23] =	ssyncadd.s32 s4;
	_ =	sdelay $0x1  }
0x19: {  	s24 =	simm.s32 $0x1B8B  }
0x1a: {  	_ =	swait.ge [sflag:s24], $0x1  }
0x1b: {  	[sflag:s24] =	ssyncset.done $0x0  }
0x1c: {  	s26 =	simm.s32 $0x1B8E;
	s25 =	sld [smem:$0x3FFE];
	[sflag:s24] =	ssyncadd.s32 $0xFFFFFFFF  }
0x1d: {  	s27 =	simm.s32 $execute0_lowered;
	[smem:$0x3FD2] =	sst s26  }
0x1e: {  	s5 =	sshll.u32 s27, $0x1;
	_ =	strace $0x80000049;
	[dreg:$0x1] =	wrdreg $0xFFFFFFFF  }
0x1f: {  	s28 =	simm.s32 $_size_execute0_lowered;
	s3 =	sadd.s32 s3, s5;
	[dreg:$0x0] =	wrdreg $0x0  }
0x20: {  	s5 =	sshll.u32 s28, $0x1;
	[dreg:$0x2] =	wrdreg s3  }
0x21: {  	[dreg:$0x3] =	wrdreg s5  }
0x22: {  	[dreg:$0x4] =	wrdreg $0xC0  }
0x23: {  	_ =	task [dreg:s7], $0x5FFFF  }
0x24: {  	[dreg:$0x1] =	wrdreg $0xFFFFFFFF  }
0x25: {  	[dreg:$0x0] =	wrdreg $0x60  }
0x26: {  	[dreg:$0x2] =	wrdreg s25  }
0x27: {  	[dreg:$0x3] =	wrdreg s2  }
0x28: {  	[dreg:$0x4] =	wrdreg $0x9  }
0x29: {  	_ =	task.clear_ibuf [dreg:s7], $0x5FFFF;
	_ =	strace $0x90000049  }
0x2a: {  	s29 =	simm.s32 $0x9;
	_ =	strace $0x8000004B  }
0x2b: {  	_ =	swait.ge [sflag:s29], $0x1  }
0x2c: {  	[sflag:s29] =	ssyncadd.s32 $0xFFFFFFFF  }
0x2d: {  	_ =	strace $0x9000004B  }
0x2e: {  	_ =	sfence  }
0x2f: {  	s30 =	sld [smem:$0x0];
	_ =	sdelay $0x2  }
0x30: {  	s31 =	sshll.u32 s1, $0xD;
	s1 =	sshrl.u32 s1, $0x2  }
0x31: {  	s3 =	sand.u32 $0x4000, s31;
	s1 =	sadd.s32 s1, s30  }
0x32: {  	s0 =	sor.u32 s3, s0;
	s1 =	sshll.u32 s1, $0x11  }
0x33: {  	s0 =	sor.u32 s1, s0  }
0x34: {  	s0 =	sadd.s32 $0x8F2B, s0  }
0x35: {  	[sflag:s0] =	ssyncadd.remote.s32 $0x1  }
0x36: {  	_ =	sfence.sel $0xFFFF  }
0x37: {  	[dreg:$0x0] =	wrdreg $0xFFFFFFFF;
	(pc) =	sbr.abs _section_cstart, $3  }
0x38: {  	[dreg:$0x1] =	wrdreg $0xFFFFFFFF  }
0x39: {  	_ =	task.clear_ibuf [dreg:s7], $0x2FFFF;
	_ =	strace $0x9FFFFFFF  }
0x3a: {  	(tm) =	ssettm $0x7FFFFFFF  }
0x3b: {  	_ =	shalt  }
tec
execute0_lowered:
.L_overlay_start_1:
0x0: {  	(tag) =	ssettag $0x1  }
0x1: {  	s0 =	srdreg.scid  }
0x2: {  	s1 =	sshll.u32 s0, $0x4  }
0x3: {  	s0 =	stileid.u32;
	s1 =	sand.u32 $0x10, s1  }
0x4: {  	s1 =	sor.u32 s0, s1  }
0x5: {  	s6 =	rddreg [dreg:$0x0];
	s4 =	simm.s32 $0x1;
	s2 =	sshll.u32 s1, $0x7  }
0x6: {  	s7 =	simm.s32 $0x2;
	s12 =	simm.s32 $0x0;
	s1 =	ssub.s32 $0x1000, s2  }
0x7: {  	s8 =	simm.s32 $0x8000;
	s13 =	simm.s32 $0x0;
	s3 =	sand.u32 $0xF80, s1  }
0x8: {  	s9 =	simm.s32 $0x0;
	s5 =	sshrl.u32 s1, $0xC;
	p0 =	sne.s32 s3, $0x0  }
.Ltmp0:
0x9: {  	s1 =	rddreg [dreg:$0x2];
	s4 =	simm.s32 @!p0 $0x0;
	(pc) =	sbr.rel .LBB1_1-.Ltmp0, $4  }
0xa: {  	s11 =	simm.s32 $0x0;
	s3 =	rddreg [dreg:$0x1];
	s5 =	sadd.s32 s4, s5  }
0xb: {  	_ =	strace $0x8000004A;
	s4 =	simm.s32 $0x1;
	s5 =	smul.u32 $0xC8, s5  }
0xc: {  	s6 =	sadd.s32 $0xA00, s6;
	s10 =	smov.u32 s2;
	[sflag:s4] =	ssyncpa.u1 $0x0  }
0xd: {  	p0 =	por $0x0, $0x0;
	[sflag:s7] =	ssyncpa.u1 $0x0;
	s7 =	sor.u32 $0x1, s5  }
.LBB1_4:
0xe: {  	s16 =	sshll.u32 s13, $0x3;
	s17 =	sand.u32 $0x78, s13  }
0xf: {  	s30 =	sand.u32 $0x3E00, s13;
	s12 =	sshll.u32 s12, $0xE;
	s16 =	sand.u32 $0xC00, s16  }
0x10: {  	s31 =	sand.u32 $0x7, s13;
	s16 =	sor.u32 s17, s16;
	s17 =	sadd.s32 s3, s30  }
0x11: {  	s13 =	sshll.u32 s31, $0x12;
	s16 =	sshrl.u32 s16, $0x3;
	s12 =	sadd.s32 s12, s17  }
0x12: {  	[tilespmem:s15+$0x0 ss:$0x81] =	vst.msk $0xffff, v0;
	s13 =	sor.u32 $0x400, s13;
	s12 =	sadd.s32 s16, s12  }
0x13: {  	[hbm4b:s12+s13] =	stream.strided.scatter [tilespmem:s14], [sflag:$0x2], $0x1000, s8, s13, $0x20;
	[tilespmem:$0x4040] =	vst v63  }
.LBB1_5:
0x14: {  	s14 =	sadd.s32 $0x1, s9  }
0x15: {  	s12 =	sadd.s32 $0x1000, s10;
	s16 =	smov.u32 s10;
	p2 =	sgt.s32 s14, $0xC7  }
0x16: {  	s16 =	smov.u32 @p2 s12  }
0x17: {  	s14 =	simm.s32 @p2 $0x0;
	p2 =	sgt.s32 s16, $0xFFF  }
0x18: {  	s16 =	smov.u32 @p2 s2;
	p2 =	sne.s32 s11, s7  }
.Ltmp1:
0x19: {  	p1 =	slt.u32 s11, $0x2;
	(pc) =	sbr.rel @!p2 .LBB1_6-.Ltmp1, $4  }
0x1a: {  	s15 =	simm.s32 @!p1 $0x2  }
0x1b: {  	s13 =	smov.u32 s10;
	p0 =	por !p0, !p0;
	_ =	swait.ge @!p1 [sflag:s15], $0x1000  }
0x1c: {  	s12 =	smov.u32 s9;
	[sflag:s15] =	ssyncset.done @!p1 $0x0;
	s9 =	smov.u32 s14  }
0x1d: {  	s11 =	sadd.s32 $0x1, s11;
	[sflag:s15] =	ssyncadd.s32 @!p1 $0xFFFFF000;
	s10 =	smov.u32 s16  }
.LBB1_1:
0x1e: {  	p1 =	sge.u32 s11, s5  }
0x1f: {  	s14 =	sand.u32 @!p1 $0x1FFFFFF, s9  }
0x20: {  	s15 =	smulhi.u32 @!p1 $0x147AE15, s14;
	_ =	sdelay $0x1  }
0x21: {  	s15 =	smul.u32 @!p1 $0xC8, s15  }
0x22: {  	s16 =	sxor.u32 @!p1 $0xFFFFFFFF, s11;
	s17 =	smul.u32 @!p1 $0xC80, s10  }
0x23: {  	s31 =	sadd.s32 $0xFFFFFFFF, s11;
	s16 =	sshll.u32 @!p1 s16, $0xC;
	s14 =	ssub.s32 @!p1 s14, s15  }
0x24: {  	s15 =	sand.u32 @!p1 $0x1000, s16;
	s16 =	sadd.s32 @!p1 s6, s17;
	s14 =	sshll.u32 @!p1 s14, $0x4  }
0x25: {  	s17 =	simm.s32 @!p1 $0x6400;
	s14 =	sadd.s32 @!p1 s14, s16;
	s16 =	simm.s32 @!p1 $0x20  }
0x26: {  	[tilespmem:s15], [sflag:$0x1] =	stream.strided.gather @!p1 [hbm4b:s14+s16], $0x1000, s17, s16, $0x38;
	[tilespmem:$0x4040] =	vst v63  }
0x27: {  	p1 =	sge.u32 s31, s5  }
.Ltmp2:
0x28: {  	_ = 	snop;
	(pc) =	sbr.rel @p1 .LBB1_5-.Ltmp2, $1  }
0x29: {  	_ =	sdelay $0x3  }
0x2a: {  	s14 =	simm.s32 $0x1  }
0x2b: {  	_ =	swait.ge [sflag:s4], $0x1000;
	s14 =	simm.s32 @!p0 $0x0  }
0x2c: {  	[sflag:s4] =	ssyncset.done $0x0;
	s15 =	sshll.u32 s14, $0xC  }
0x2d: {  	[sflag:s4] =	ssyncadd.s32 $0xFFFFF000;
	s18 =	sor.u32 $0x10, s15  }
0x2e: {  	s14 =	smul.u32 $0x4080, s14;
	v1 =	vld [tilespmem:s18+$0x0]  }
0x2f: {  	s30 =	sand.u32 $0x1, s11;
	v0 =	vld [tilespmem:s18+$0xFFFFFFF0]  }
0x30: {  	s15 =	smul.u32 $0x4080, s30;
	s14 =	sshrl.u32 s14, $0x2  }
0x31: {  	s16 =	sor.u32 $0x2000, s14  }
0x32: {  	s31 =	sshrl.u32 s15, $0x2;
	s15 =	sadd.s32 $0x0, s16  }
0x33: {  	s17 =	simm.s32 $0x4;
	s18 =	sadd.s32 $0x20, s18;
	s14 =	sor.u32 $0x2000, s31;
	[tilespmem:s15+$0x810 ss:$0x81] =	vst.msk $0xffff, v1  }
.LBB1_3:
0x34: {  	v1 =	vld [tilespmem:s18+$0x0];
	p1 =	sne.s32 s17, $0x1FC;
	[tilespmem:s15+$0x0 ss:$0x81] =	vst.msk $0xffff, v0;
	s15 =	smov.u32 s17;
	s17 =	sadd.s32 $0x4, s17  }
.Ltmp3:
0x35: {  	v0 =	vld [tilespmem:s18+$0xFFFFFFF0];
	(pc) =	sbr.rel @p1 .LBB1_3-.Ltmp3, $4  }
0x36: {  	_ = 	snop  }
0x37: {  	s15 =	sshra.s32 s15, $0x2  }
0x38: {  	s15 =	sadd.s32 s15, s16  }
0x39: {  	s18 =	sadd.s32 $0x20, s18;
	[tilespmem:s15+$0x810 ss:$0x81] =	vst.msk $0xffff, v1  }
.Ltmp4:
0x3a: {  	_ = 	snop;
	(pc) =	sbr.rel .LBB1_4-.Ltmp4, $1  }
0x3b: {  	_ =	sdelay $0x3  }
.LBB1_6:
0x3c: {  	_ =	sfence.sel $0x180000  }
0x3d: {  	s2 =	simm.s32 $0x1;
	[bflag:$0x0] =	sbarrier.arrive $0xFFFF  }
0x3e: {  	s31 =	simm.s32 $0x2;
	[sflag:s2] =	ssyncpa.u1 $0x1  }
0x3f: {  	[sflag:s31] =	ssyncpa.u1 $0x1  }
0x40: {  	p0 =	sne.s32 s0, $0x0;
	_ =	strace $0x9000004A  }
0x41: {  	s0 =	sadd.s32 @!p0 $0x100000, s1;
	[bflag:$0x2] =	sbarrier.arrive $0xFFFF  }
0x42: {  	[sflag:s0] =	ssyncadd.tile.s32 @!p0 $0x1;
	_ =	shalt  }
.Lfunc_end1:
_tile_overlayer_lowered:
.L_overlay_start_2:
0x43: {  	(tag) =	ssettag $0x2  }
0x44: {  	s0 =	rddreg [dreg:$0x0];
	s2 =	stileid.u32  }
0x45: {  	s1 =	rddreg [dreg:$0x1];
	p0 =	sne.s32 s2, $0x0  }
0x46: {  	s3 =	rddreg [dreg:$0x2];
	[bflag:$0x3] =	sbarrier.arrive $0xFFFF;
	s2 =	simm.s32 @!p0 $0x1C01  }
0x47: {  	[timem:s3], [sflag:s2] =	dma.local @!p0 [hbm:s0], s1  }
0x48: {  	s0 =	simm.s32 @!p0 $0x1  }
0x49: {  	_ =	swait.ge @!p0 [sflag:s0], s1  }
0x4a: {  	s1 =	ssub.s32 @!p0 $0x0, s1;
	[sflag:s0] =	ssyncset.done @!p0 $0x0  }
0x4b: {  	[sflag:s0] =	ssyncadd.s32 @!p0 s1  }
0x4c: {  	[bflag:$0x3] =	sbarrier.arrive $0xFFFF  }
0x4d: {  	_ =	shalt  }

</sc_bundles>
